<compile_context>
chip_gen: v7x
topology: tpu7x:2x2x1
jax: 0.10.2.dev20260603
libtpu: 0.0.44.dev20260713+nightly
codegen_flags: <defaults>
</compile_context>

<pallas_src>
import functools

import jax
import jax.numpy as jnp
from jax import lax
from jax.experimental import pallas as pl
from jax.experimental.pallas import tpu as pltpu
from jax.experimental.pallas import tpu_sc as plsc

BATCH = 16384
NUM_FEATURES = 10
NUM_VALUES = 500
HIDDEN = 128

NUM_CORES = 2
NUM_SUBCORES = 16
NUM_WORKERS = NUM_CORES * NUM_SUBCORES
B_PER_W = BATCH // NUM_WORKERS
CHUNK = 128
N_CHUNKS = B_PER_W // CHUNK
LANES = 16
VECS_PER_ROW = HIDDEN // LANES
GROUPS_PER_CHUNK = CHUNK // LANES

TAB_ROWS = NUM_FEATURES * NUM_VALUES
STAGE_ROWS = TAB_ROWS // NUM_SUBCORES
STAGE_TAIL = TAB_ROWS - (NUM_SUBCORES - 1) * STAGE_ROWS


def _sc_encode(xi, tab):
    mesh = plsc.VectorSubcoreMesh(core_axis_name="c", subcore_axis_name="s")

    @functools.partial(
        pl.kernel,
        mesh=mesh,
        out_type=jax.ShapeDtypeStruct((BATCH, HIDDEN), jnp.float32),
        scratch_types=[
            pltpu.VMEM((NUM_FEATURES, N_CHUNKS, CHUNK), jnp.int32),
            pltpu.VMEM((3, CHUNK, HIDDEN), jnp.float32),
            pltpu.VMEM_SHARED((TAB_ROWS, HIDDEN), jnp.float32),
            pltpu.SemaphoreType.DMA,
            pltpu.SemaphoreType.DMA,
            pltpu.SemaphoreType.DMA((3,)),
            pltpu.SemaphoreType.DMA((3,)),
        ],
    )
    def k(xi_hbm, tab_hbm, out_hbm, idx_all, acc2, shared_tab,
          ssem, hsem, gsem, osem):
        wid = lax.axis_index("s") * NUM_CORES + lax.axis_index("c")
        sid = lax.axis_index("s")
        base = wid * B_PER_W

        @pl.when(sid < NUM_SUBCORES - 1)
        def _():
            pltpu.async_copy(
                tab_hbm.at[pl.ds(sid * STAGE_ROWS, STAGE_ROWS)],
                shared_tab.at[pl.ds(sid * STAGE_ROWS, STAGE_ROWS)],
                ssem,
            )

        @pl.when(sid == NUM_SUBCORES - 1)
        def _():
            pltpu.async_copy(
                tab_hbm.at[pl.ds((NUM_SUBCORES - 1) * STAGE_ROWS, STAGE_TAIL)],
                shared_tab.at[
                    pl.ds((NUM_SUBCORES - 1) * STAGE_ROWS, STAGE_TAIL)],
                ssem,
            )

        pltpu.sync_copy(xi_hbm.at[wid], idx_all)

        zero16 = jnp.zeros((LANES,), jnp.float32)

        def zero_acc(b):
            def zrow(i, _):
                for j in range(VECS_PER_ROW):
                    acc2.at[b][i, pl.ds(j * LANES, LANES)] = zero16
                return 0

            lax.fori_loop(0, CHUNK, zrow, 0)

        def fire_hbm_gathers(cc, b):
            def feat(f, _):
                pltpu.async_copy(
                    tab_hbm.at[idx_all.at[f, cc]], acc2.at[b], hsem,
                    add=True,
                )
                return 0

            lax.fori_loop(0, NUM_FEATURES, feat, 0)

        def fire_gathers(cc, b):
            def feat(f, _):
                pltpu.async_copy(
                    shared_tab.at[idx_all.at[f, cc]], acc2.at[b], gsem.at[b],
                    add=True,
                )
                return 0

            lax.fori_loop(0, NUM_FEATURES, feat, 0)

        def drain_gathers(cc, b):
            def feat_h(f, _):
                pltpu.make_async_copy(
                    tab_hbm.at[idx_all.at[f, cc]], acc2.at[b], hsem
                ).wait()
                return 0

            def feat_s(f, _):
                pltpu.make_async_copy(
                    shared_tab.at[idx_all.at[f, cc]], acc2.at[b], gsem.at[b]
                ).wait()
                return 0

            @pl.when(cc == 0)
            def _():
                lax.fori_loop(0, NUM_FEATURES, feat_h, 0)

            @pl.when(cc > 0)
            def _():
                lax.fori_loop(0, NUM_FEATURES, feat_s, 0)

        zero_acc(0)
        fire_hbm_gathers(0, 0)

        @pl.when(sid < NUM_SUBCORES - 1)
        def _():
            pltpu.make_async_copy(
                tab_hbm.at[pl.ds(sid * STAGE_ROWS, STAGE_ROWS)],
                shared_tab.at[pl.ds(sid * STAGE_ROWS, STAGE_ROWS)],
                ssem,
            ).wait()

        @pl.when(sid == NUM_SUBCORES - 1)
        def _():
            pltpu.make_async_copy(
                tab_hbm.at[pl.ds((NUM_SUBCORES - 1) * STAGE_ROWS, STAGE_TAIL)],
                shared_tab.at[
                    pl.ds((NUM_SUBCORES - 1) * STAGE_ROWS, STAGE_TAIL)],
                ssem,
            ).wait()

        plsc.subcore_barrier()

        zero_acc(1)
        fire_gathers(1, 1)
        zero_acc(2)
        fire_gathers(2, 2)

        def chunk_body(c, _):
            p = c % 3
            drain_gathers(c, p)
            pltpu.async_copy(
                acc2.at[p], out_hbm.at[pl.ds(base + c * CHUNK, CHUNK)],
                osem.at[p],
            )

            @pl.when(c + 3 < N_CHUNKS + 0)
            def _prep_next():
                pltpu.make_async_copy(
                    acc2.at[p], out_hbm.at[pl.ds(base + c * CHUNK, CHUNK)],
                    osem.at[p],
                ).wait()
                zero_acc(p)
                fire_gathers(c + 3, p)

            return 0

        lax.fori_loop(0, N_CHUNKS, chunk_body, 0)

        for c in (N_CHUNKS - 3, N_CHUNKS - 2, N_CHUNKS - 1):
            pltpu.make_async_copy(
                acc2.at[c % 3],
                out_hbm.at[pl.ds(base + c * CHUNK, CHUNK)],
                osem.at[c % 3],
            ).wait()

    return k(xi, tab)


def kernel(x, tables):
    if x.ndim == 1:
        x = x[:, None]
    xi = x.astype(jnp.int32) + NUM_VALUES * jnp.arange(
        NUM_FEATURES, dtype=jnp.int32)[None, :]
    xi = xi.reshape(NUM_WORKERS, N_CHUNKS, CHUNK, NUM_FEATURES)
    xi = xi.transpose(0, 3, 1, 2)
    return _sc_encode(xi, tables.reshape(TAB_ROWS, HIDDEN))

# --- scband reference (transcript-rebuilt; emitter-appended) ---
"""Pipeline reference for scband-discrete-encoder-20598663152221 (READ-ONLY COPY).

The authoritative reference and input builder live on the scoring server;
editing this copy changes nothing except your own understanding.
"""

import jax, jax.numpy as jnp
import numpy as np

BATCH = 16384
NUM_FEATURES = 10
NUM_VALUES = 500
HIDDEN = 128


def setup_inputs(seed: int = 0) -> dict:
    key = jax.random.key(seed)
    kx, kt = jax.random.split(key)
    x = jax.random.randint(kx, (BATCH, NUM_FEATURES), 0, NUM_VALUES, dtype=jnp.int32)
    # One embedding table per feature, stacked: [max_num_features, max_num_values, hidden]
    # nn.Embedding default init is N(0, 1).
    tables = jax.random.normal(kt, (NUM_FEATURES, NUM_VALUES, HIDDEN), dtype=jnp.float32)
    return {"x": x, "tables": tables}


def reference(x, tables):
    if x.ndim == 1:
        x = x[:, None]
    out = jnp.zeros((x.shape[0], tables.shape[-1]), dtype=tables.dtype)
    for i in range(x.shape[1]):
        out = out + jnp.take(tables[i], x[:, i], axis=0)
    return out

if __name__ == "__main__":
    import jax
    _d = setup_inputs()
    print(jax.jit(kernel)(*tuple(_d.values())))

</pallas_src>

<mosaic_0001>
#map = affine_map<(d0, d1) -> (0, 0, 0, 0)>
#map1 = affine_map<(d0, d1) -> (0, 0)>
module attributes {stable_mosaic.version = 14 : i64} {
  func.func @k(%arg0: i32, %arg1: i32, %arg2: memref<32x10x4x128xi32, #tpu.memory_space<hbm>>, %arg3: memref<5000x128xf32, #tpu.memory_space<hbm>>, %arg4: memref<16384x128xf32, #tpu.memory_space<hbm>>, %arg5: memref<10x4x128xi32, #tpu.memory_space<vmem>>, %arg6: memref<3x128x128xf32, #tpu.memory_space<vmem>>, %arg7: memref<5000x128xf32, #tpu.memory_space<vmem_shared>>, %arg8: memref<!tpu.dma_semaphore, #tpu.memory_space<semaphore_mem>>, %arg9: memref<!tpu.dma_semaphore, #tpu.memory_space<semaphore_mem>>, %arg10: memref<3x!tpu.dma_semaphore, #tpu.memory_space<semaphore_mem>>, %arg11: memref<3x!tpu.dma_semaphore, #tpu.memory_space<semaphore_mem>>) attributes {dimension_semantics = [#tpu.dimension_semantics<core_parallel>, #tpu.dimension_semantics<subcore_parallel>], iteration_bounds = array<i64: 2, 16>, scalar_prefetch = 0 : i64, scratch_operands = 7 : i64, tpu.core_type = #tpu.core_type<sc_vector_subcore>, window_params = [{transform_indices = #map}, {transform_indices = #map1}, {transform_indices = #map1}]} {
    %mul3A = arith.constant 2 : i32
    %mul3A_0 = arith.muli %arg1, %mul3A : i32
    %add3A = arith.addi %mul3A_0, %arg0 : i32
    %mul3A_1 = arith.constant 512 : i32
    %mul3A_2 = arith.muli %add3A, %mul3A_1 : i32
    %lt3A = arith.constant 15 : i32
    %lt3A_3 = arith.cmpi slt, %arg1, %lt3A : i32
    %convert_element_type3A = arith.extui %lt3A_3 : i1 to i32
    %cond3A = arith.constant 0 : i32
    %cond3A_4 = arith.cmpi ne, %convert_element_type3A, %cond3A : i32
    scf.if %cond3A_4 {
      %mul3A_121 = arith.constant 312 : i32
      %mul3A_122 = arith.muli %arg1, %mul3A_121 : i32
      %mul3A_123 = arith.constant 312 : i32
      %mul3A_124 = arith.muli %arg1, %mul3A_123 : i32
      %dma_start3A = arith.constant 0 : i32
      %dma_start3A_125 = tpu.memref_slice %arg7[%mul3A_124, %dma_start3A] : memref<5000x128xf32, #tpu.memory_space<vmem_shared>> -> memref<312x128xf32, #tpu.memory_space<vmem_shared>>
      %dma_start3A_126 = arith.constant 0 : i32
      %dma_start3A_127 = tpu.memref_slice %arg3[%mul3A_122, %dma_start3A_126] : memref<5000x128xf32, #tpu.memory_space<hbm>> -> memref<312x128xf32, #tpu.memory_space<hbm>>
      tpu.enqueue_dma source(%dma_start3A_127 : memref<312x128xf32, #tpu.memory_space<hbm>>) target(%dma_start3A_125 : memref<312x128xf32, #tpu.memory_space<vmem_shared>>) target_semaphore(%arg8 : memref<!tpu.dma_semaphore, #tpu.memory_space<semaphore_mem>>)
    } else {
    }
    %eq3A = arith.constant 15 : i32
    %eq3A_5 = arith.cmpi eq, %arg1, %eq3A : i32
    %convert_element_type3A_6 = arith.extui %eq3A_5 : i1 to i32
    %cond3A_7 = arith.constant 0 : i32
    %cond3A_8 = arith.cmpi ne, %convert_element_type3A_6, %cond3A_7 : i32
    scf.if %cond3A_8 {
      %dma_start3A = arith.constant 4680 : i32
      %dma_start3A_121 = arith.constant 0 : i32
      %dma_start3A_122 = tpu.memref_slice %arg7[%dma_start3A, %dma_start3A_121] : memref<5000x128xf32, #tpu.memory_space<vmem_shared>> -> memref<320x128xf32, #tpu.memory_space<vmem_shared>>
      %dma_start3A_123 = arith.constant 4680 : i32
      %dma_start3A_124 = arith.constant 0 : i32
      %dma_start3A_125 = tpu.memref_slice %arg3[%dma_start3A_123, %dma_start3A_124] : memref<5000x128xf32, #tpu.memory_space<hbm>> -> memref<320x128xf32, #tpu.memory_space<hbm>>
      tpu.enqueue_dma source(%dma_start3A_125 : memref<320x128xf32, #tpu.memory_space<hbm>>) target(%dma_start3A_122 : memref<320x128xf32, #tpu.memory_space<vmem_shared>>) target_semaphore(%arg8 : memref<!tpu.dma_semaphore, #tpu.memory_space<semaphore_mem>>)
    } else {
    }
    "tpu.region"() ({
      %run_scoped3A = tpu.sem_alloc : memref<!tpu.dma_semaphore, #tpu.memory_space<semaphore_mem>>
      %dma_start3A = arith.constant 0 : i32
      %dma_start3A_121 = arith.constant 0 : i32
      %dma_start3A_122 = arith.constant 0 : i32
      %dma_start3A_123 = tpu.memref_slice %arg2[%add3A, %dma_start3A, %dma_start3A_121, %dma_start3A_122] : memref<32x10x4x128xi32, #tpu.memory_space<hbm>> -> memref<1x10x4x128xi32, #tpu.memory_space<hbm>>
      %dma_start3A_124 = tpu.memref_squeeze %dma_start3A_123 : memref<1x10x4x128xi32, #tpu.memory_space<hbm>> -> memref<10x4x128xi32, #tpu.memory_space<hbm>>
      %dma_start3A_125 = arith.constant 0 : i32
      %dma_start3A_126 = arith.constant 0 : i32
      %dma_start3A_127 = arith.constant 0 : i32
      %dma_start3A_128 = tpu.memref_slice %arg2[%add3A, %dma_start3A_125, %dma_start3A_126, %dma_start3A_127] : memref<32x10x4x128xi32, #tpu.memory_space<hbm>> -> memref<1x10x4x128xi32, #tpu.memory_space<hbm>>
      %dma_start3A_129 = tpu.memref_squeeze %dma_start3A_128 : memref<1x10x4x128xi32, #tpu.memory_space<hbm>> -> memref<10x4x128xi32, #tpu.memory_space<hbm>>
      tpu.enqueue_dma source(%dma_start3A_129 : memref<10x4x128xi32, #tpu.memory_space<hbm>>) target(%arg5 : memref<10x4x128xi32, #tpu.memory_space<vmem>>) target_semaphore(%run_scoped3A : memref<!tpu.dma_semaphore, #tpu.memory_space<semaphore_mem>>)
      %dma_wait3A_130 = arith.constant 0 : i32
      %dma_wait3A_131 = arith.constant 0 : i32
      %dma_wait3A_132 = arith.constant 0 : i32
      %dma_wait3A_133 = tpu.memref_slice %arg2[%add3A, %dma_wait3A_130, %dma_wait3A_131, %dma_wait3A_132] : memref<32x10x4x128xi32, #tpu.memory_space<hbm>> -> memref<1x10x4x128xi32, #tpu.memory_space<hbm>>
      %dma_wait3A_134 = tpu.memref_squeeze %dma_wait3A_133 : memref<1x10x4x128xi32, #tpu.memory_space<hbm>> -> memref<10x4x128xi32, #tpu.memory_space<hbm>>
      %dma_wait3A_135 = arith.constant 0 : i32
      %dma_wait3A_136 = arith.constant 0 : i32
      %dma_wait3A_137 = arith.constant 0 : i32
      %dma_wait3A_138 = tpu.memref_slice %arg2[%add3A, %dma_wait3A_135, %dma_wait3A_136, %dma_wait3A_137] : memref<32x10x4x128xi32, #tpu.memory_space<hbm>> -> memref<1x10x4x128xi32, #tpu.memory_space<hbm>>
      %dma_wait3A_139 = tpu.memref_squeeze %dma_wait3A_138 : memref<1x10x4x128xi32, #tpu.memory_space<hbm>> -> memref<10x4x128xi32, #tpu.memory_space<hbm>>
      tpu.wait_dma2 semaphore(%run_scoped3A : memref<!tpu.dma_semaphore, #tpu.memory_space<semaphore_mem>>) src(%dma_wait3A_139 : memref<10x4x128xi32, #tpu.memory_space<hbm>>) dst(%arg5 : memref<10x4x128xi32, #tpu.memory_space<vmem>>)
      tpu.yield
    }) : () -> ()
    %broadcast_in_dim3A = arith.constant 0.000000e+00 : f32
    %broadcast_in_dim3A_9 = vector.broadcast %broadcast_in_dim3A : f32 to vector<16xf32>
    %scan3A = arith.constant 0 : i32
    %scan3A_10 = arith.constant 0 : i32
    %scan3A_11 = arith.constant 128 : i32
    %scan3A_12 = arith.addi %scan3A_10, %scan3A_11 : i32
    %scan3A_13 = arith.constant 1 : i32
    %scan3A_14 = scf.for %scan3A_121 = %scan3A_10 to %scan3A_12 step %scan3A_13 iter_args(%scan3A_122 = %scan3A) -> (i32)  : i32 {
      %swap3A = arith.constant 0 : i32
      %swap3A_123 = arith.constant 0 : i32
      %swap3A_124 = arith.constant 0 : i32
      %swap3A_125 = tpu.memref_slice %arg6[%swap3A, %swap3A_123, %swap3A_124] : memref<3x128x128xf32, #tpu.memory_space<vmem>> -> memref<1x128x128xf32, #tpu.memory_space<vmem>>
      %swap3A_126 = tpu.memref_squeeze %swap3A_125 : memref<1x128x128xf32, #tpu.memory_space<vmem>> -> memref<128x128xf32, #tpu.memory_space<vmem>>
      %swap3A_127 = arith.index_cast %scan3A_121 : i32 to index
      %swap3A_128 = arith.constant 0 : index
      %swap3A_129 = tpu.vector_load %swap3A_126[%swap3A_127, %swap3A_128] {strides = array<i32>} : memref<128x128xf32, #tpu.memory_space<vmem>>, vector<1x16xf32>,
      %swap3A_130 = vector.shape_cast %swap3A_129 : vector<1x16xf32> to vector<16xf32>
      %swap3A_131 = vector.shape_cast %broadcast_in_dim3A_9 : vector<16xf32> to vector<1x16xf32>
      tpu.vector_store %swap3A_126[%swap3A_127, %swap3A_128], %swap3A_131 {strides = array<i32>} : memref<128x128xf32, #tpu.memory_space<vmem>>, vector<1x16xf32>,
      %swap3A_132 = arith.constant 0 : i32
      %swap3A_133 = arith.constant 0 : i32
      %swap3A_134 = arith.constant 0 : i32
      %swap3A_135 = tpu.memref_slice %arg6[%swap3A_132, %swap3A_133, %swap3A_134] : memref<3x128x128xf32, #tpu.memory_space<vmem>> -> memref<1x128x128xf32, #tpu.memory_space<vmem>>
      %swap3A_136 = tpu.memref_squeeze %swap3A_135 : memref<1x128x128xf32, #tpu.memory_space<vmem>> -> memref<128x128xf32, #tpu.memory_space<vmem>>
      %swap3A_137 = arith.index_cast %scan3A_121 : i32 to index
      %swap3A_138 = arith.constant 16 : index
      %swap3A_139 = tpu.vector_load %swap3A_136[%swap3A_137, %swap3A_138] {strides = array<i32>} : memref<128x128xf32, #tpu.memory_space<vmem>>, vector<1x16xf32>,
      %swap3A_140 = vector.shape_cast %swap3A_139 : vector<1x16xf32> to vector<16xf32>
      %swap3A_141 = vector.shape_cast %broadcast_in_dim3A_9 : vector<16xf32> to vector<1x16xf32>
      tpu.vector_store %swap3A_136[%swap3A_137, %swap3A_138], %swap3A_141 {strides = array<i32>} : memref<128x128xf32, #tpu.memory_space<vmem>>, vector<1x16xf32>,
      %swap3A_142 = arith.constant 0 : i32
      %swap3A_143 = arith.constant 0 : i32
      %swap3A_144 = arith.constant 0 : i32
      %swap3A_145 = tpu.memref_slice %arg6[%swap3A_142, %swap3A_143, %swap3A_144] : memref<3x128x128xf32, #tpu.memory_space<vmem>> -> memref<1x128x128xf32, #tpu.memory_space<vmem>>
      %swap3A_146 = tpu.memref_squeeze %swap3A_145 : memref<1x128x128xf32, #tpu.memory_space<vmem>> -> memref<128x128xf32, #tpu.memory_space<vmem>>
      %swap3A_147 = arith.index_cast %scan3A_121 : i32 to index
      %swap3A_148 = arith.constant 32 : index
      %swap3A_149 = tpu.vector_load %swap3A_146[%swap3A_147, %swap3A_148] {strides = array<i32>} : memref<128x128xf32, #tpu.memory_space<vmem>>, vector<1x16xf32>,
      %swap3A_150 = vector.shape_cast %swap3A_149 : vector<1x16xf32> to vector<16xf32>
      %swap3A_151 = vector.shape_cast %broadcast_in_dim3A_9 : vector<16xf32> to vector<1x16xf32>
      tpu.vector_store %swap3A_146[%swap3A_147, %swap3A_148], %swap3A_151 {strides = array<i32>} : memref<128x128xf32, #tpu.memory_space<vmem>>, vector<1x16xf32>,
      %swap3A_152 = arith.constant 0 : i32
      %swap3A_153 = arith.constant 0 : i32
      %swap3A_154 = arith.constant 0 : i32
      %swap3A_155 = tpu.memref_slice %arg6[%swap3A_152, %swap3A_153, %swap3A_154] : memref<3x128x128xf32, #tpu.memory_space<vmem>> -> memref<1x128x128xf32, #tpu.memory_space<vmem>>
      %swap3A_156 = tpu.memref_squeeze %swap3A_155 : memref<1x128x128xf32, #tpu.memory_space<vmem>> -> memref<128x128xf32, #tpu.memory_space<vmem>>
      %swap3A_157 = arith.index_cast %scan3A_121 : i32 to index
      %swap3A_158 = arith.constant 48 : index
      %swap3A_159 = tpu.vector_load %swap3A_156[%swap3A_157, %swap3A_158] {strides = array<i32>} : memref<128x128xf32, #tpu.memory_space<vmem>>, vector<1x16xf32>,
      %swap3A_160 = vector.shape_cast %swap3A_159 : vector<1x16xf32> to vector<16xf32>
      %swap3A_161 = vector.shape_cast %broadcast_in_dim3A_9 : vector<16xf32> to vector<1x16xf32>
      tpu.vector_store %swap3A_156[%swap3A_157, %swap3A_158], %swap3A_161 {strides = array<i32>} : memref<128x128xf32, #tpu.memory_space<vmem>>, vector<1x16xf32>,
      %swap3A_162 = arith.constant 0 : i32
      %swap3A_163 = arith.constant 0 : i32
      %swap3A_164 = arith.constant 0 : i32
      %swap3A_165 = tpu.memref_slice %arg6[%swap3A_162, %swap3A_163, %swap3A_164] : memref<3x128x128xf32, #tpu.memory_space<vmem>> -> memref<1x128x128xf32, #tpu.memory_space<vmem>>
      %swap3A_166 = tpu.memref_squeeze %swap3A_165 : memref<1x128x128xf32, #tpu.memory_space<vmem>> -> memref<128x128xf32, #tpu.memory_space<vmem>>
      %swap3A_167 = arith.index_cast %scan3A_121 : i32 to index
      %swap3A_168 = arith.constant 64 : index
      %swap3A_169 = tpu.vector_load %swap3A_166[%swap3A_167, %swap3A_168] {strides = array<i32>} : memref<128x128xf32, #tpu.memory_space<vmem>>, vector<1x16xf32>,
      %swap3A_170 = vector.shape_cast %swap3A_169 : vector<1x16xf32> to vector<16xf32>
      %swap3A_171 = vector.shape_cast %broadcast_in_dim3A_9 : vector<16xf32> to vector<1x16xf32>
      tpu.vector_store %swap3A_166[%swap3A_167, %swap3A_168], %swap3A_171 {strides = array<i32>} : memref<128x128xf32, #tpu.memory_space<vmem>>, vector<1x16xf32>,
      %swap3A_172 = arith.constant 0 : i32
      %swap3A_173 = arith.constant 0 : i32
      %swap3A_174 = arith.constant 0 : i32
      %swap3A_175 = tpu.memref_slice %arg6[%swap3A_172, %swap3A_173, %swap3A_174] : memref<3x128x128xf32, #tpu.memory_space<vmem>> -> memref<1x128x128xf32, #tpu.memory_space<vmem>>
      %swap3A_176 = tpu.memref_squeeze %swap3A_175 : memref<1x128x128xf32, #tpu.memory_space<vmem>> -> memref<128x128xf32, #tpu.memory_space<vmem>>
      %swap3A_177 = arith.index_cast %scan3A_121 : i32 to index
      %swap3A_178 = arith.constant 80 : index
      %swap3A_179 = tpu.vector_load %swap3A_176[%swap3A_177, %swap3A_178] {strides = array<i32>} : memref<128x128xf32, #tpu.memory_space<vmem>>, vector<1x16xf32>,
      %swap3A_180 = vector.shape_cast %swap3A_179 : vector<1x16xf32> to vector<16xf32>
      %swap3A_181 = vector.shape_cast %broadcast_in_dim3A_9 : vector<16xf32> to vector<1x16xf32>
      tpu.vector_store %swap3A_176[%swap3A_177, %swap3A_178], %swap3A_181 {strides = array<i32>} : memref<128x128xf32, #tpu.memory_space<vmem>>, vector<1x16xf32>,
      %swap3A_182 = arith.constant 0 : i32
      %swap3A_183 = arith.constant 0 : i32
      %swap3A_184 = arith.constant 0 : i32
      %swap3A_185 = tpu.memref_slice %arg6[%swap3A_182, %swap3A_183, %swap3A_184] : memref<3x128x128xf32, #tpu.memory_space<vmem>> -> memref<1x128x128xf32, #tpu.memory_space<vmem>>
      %swap3A_186 = tpu.memref_squeeze %swap3A_185 : memref<1x128x128xf32, #tpu.memory_space<vmem>> -> memref<128x128xf32, #tpu.memory_space<vmem>>
      %swap3A_187 = arith.index_cast %scan3A_121 : i32 to index
      %swap3A_188 = arith.constant 96 : index
      %swap3A_189 = tpu.vector_load %swap3A_186[%swap3A_187, %swap3A_188] {strides = array<i32>} : memref<128x128xf32, #tpu.memory_space<vmem>>, vector<1x16xf32>,
      %swap3A_190 = vector.shape_cast %swap3A_189 : vector<1x16xf32> to vector<16xf32>
      %swap3A_191 = vector.shape_cast %broadcast_in_dim3A_9 : vector<16xf32> to vector<1x16xf32>
      tpu.vector_store %swap3A_186[%swap3A_187, %swap3A_188], %swap3A_191 {strides = array<i32>} : memref<128x128xf32, #tpu.memory_space<vmem>>, vector<1x16xf32>,
      %swap3A_192 = arith.constant 0 : i32
      %swap3A_193 = arith.constant 0 : i32
      %swap3A_194 = arith.constant 0 : i32
      %swap3A_195 = tpu.memref_slice %arg6[%swap3A_192, %swap3A_193, %swap3A_194] : memref<3x128x128xf32, #tpu.memory_space<vmem>> -> memref<1x128x128xf32, #tpu.memory_space<vmem>>
      %swap3A_196 = tpu.memref_squeeze %swap3A_195 : memref<1x128x128xf32, #tpu.memory_space<vmem>> -> memref<128x128xf32, #tpu.memory_space<vmem>>
      %swap3A_197 = arith.index_cast %scan3A_121 : i32 to index
      %swap3A_198 = arith.constant 112 : index
      %swap3A_199 = tpu.vector_load %swap3A_196[%swap3A_197, %swap3A_198] {strides = array<i32>} : memref<128x128xf32, #tpu.memory_space<vmem>>, vector<1x16xf32>,
      %swap3A_200 = vector.shape_cast %swap3A_199 : vector<1x16xf32> to vector<16xf32>
      %swap3A_201 = vector.shape_cast %broadcast_in_dim3A_9 : vector<16xf32> to vector<1x16xf32>
      tpu.vector_store %swap3A_196[%swap3A_197, %swap3A_198], %swap3A_201 {strides = array<i32>} : memref<128x128xf32, #tpu.memory_space<vmem>>, vector<1x16xf32>,
      %scan3A_202 = arith.constant 0 : i32
      scf.yield %scan3A_202 : i32
    }
    %scan3A_15 = arith.constant 128 : i32
    %scan3A_16 = arith.constant 0 : i32
    %scan3A_17 = arith.constant 0 : i32
    %scan3A_18 = arith.constant 10 : i32
    %scan3A_19 = arith.addi %scan3A_17, %scan3A_18 : i32
    %scan3A_20 = arith.constant 1 : i32
    %scan3A_21 = scf.for %scan3A_121 = %scan3A_17 to %scan3A_19 step %scan3A_20 iter_args(%scan3A_122 = %scan3A_16) -> (i32)  : i32 {
      %dma_start3A = arith.constant 0 : i32
      %dma_start3A_123 = arith.constant 0 : i32
      %dma_start3A_124 = arith.constant 0 : i32
      %dma_start3A_125 = arith.constant 0 : i32
      %dma_start3A_126 = tpu.memref_slice %arg6[%dma_start3A_123, %dma_start3A_124, %dma_start3A_125] : memref<3x128x128xf32, #tpu.memory_space<vmem>> -> memref<1x128x128xf32, #tpu.memory_space<vmem>>
      %dma_start3A_127 = tpu.memref_squeeze %dma_start3A_126 : memref<1x128x128xf32, #tpu.memory_space<vmem>> -> memref<128x128xf32, #tpu.memory_space<vmem>>
      %dma_start3A_128 = arith.constant 0 : i32
      %dma_start3A_129 = tpu.memref_slice %arg5[%scan3A_121, %dma_start3A, %dma_start3A_128] : memref<10x4x128xi32, #tpu.memory_space<vmem>> -> memref<1x1x128xi32, #tpu.memory_space<vmem>>
      %dma_start3A_130 = tpu.memref_squeeze %dma_start3A_129 : memref<1x1x128xi32, #tpu.memory_space<vmem>> -> memref<128xi32, #tpu.memory_space<vmem>>
      %dma_start3A_131 = arith.constant 0 : i32
      %dma_start3A_132 = arith.constant 0 : i32
      %dma_start3A_133 = tpu.memref_slice %arg3[%dma_start3A_131, %dma_start3A_132] : memref<5000x128xf32, #tpu.memory_space<hbm>> -> memref<5000x128xf32, #tpu.memory_space<hbm>>
      tpu.enqueue_indirect_dma source(%dma_start3A_133 : memref<5000x128xf32, #tpu.memory_space<hbm>>) target(%dma_start3A_127 : memref<128x128xf32, #tpu.memory_space<vmem>>) offsets(%dma_start3A_130 : memref<128xi32, #tpu.memory_space<vmem>>) semaphore(%arg9 : memref<!tpu.dma_semaphore, #tpu.memory_space<semaphore_mem>>) {add = true}
      %scan3A_134 = arith.constant 0 : i32
      scf.yield %scan3A_134 : i32
    }
    %scan3A_22 = arith.constant 10 : i32
    %lt3A_23 = arith.constant 15 : i32
    %lt3A_24 = arith.cmpi slt, %arg1, %lt3A_23 : i32
    %convert_element_type3A_25 = arith.extui %lt3A_24 : i1 to i32
    %cond3A_26 = arith.constant 0 : i32
    %cond3A_27 = arith.cmpi ne, %convert_element_type3A_25, %cond3A_26 : i32
    scf.if %cond3A_27 {
      %mul3A_121 = arith.constant 312 : i32
      %mul3A_122 = arith.muli %arg1, %mul3A_121 : i32
      %mul3A_123 = arith.constant 312 : i32
      %mul3A_124 = arith.muli %arg1, %mul3A_123 : i32
      %dma_wait3A_125 = arith.constant 0 : i32
      %dma_wait3A_126 = tpu.memref_slice %arg7[%mul3A_124, %dma_wait3A_125] : memref<5000x128xf32, #tpu.memory_space<vmem_shared>> -> memref<312x128xf32, #tpu.memory_space<vmem_shared>>
      %dma_wait3A_127 = arith.constant 0 : i32
      %dma_wait3A_128 = tpu.memref_slice %arg3[%mul3A_122, %dma_wait3A_127] : memref<5000x128xf32, #tpu.memory_space<hbm>> -> memref<312x128xf32, #tpu.memory_space<hbm>>
      tpu.wait_dma2 semaphore(%arg8 : memref<!tpu.dma_semaphore, #tpu.memory_space<semaphore_mem>>) src(%dma_wait3A_128 : memref<312x128xf32, #tpu.memory_space<hbm>>) dst(%dma_wait3A_126 : memref<312x128xf32, #tpu.memory_space<vmem_shared>>)
    } else {
    }
    %eq3A_28 = arith.constant 15 : i32
    %eq3A_29 = arith.cmpi eq, %arg1, %eq3A_28 : i32
    %convert_element_type3A_30 = arith.extui %eq3A_29 : i1 to i32
    %cond3A_31 = arith.constant 0 : i32
    %cond3A_32 = arith.cmpi ne, %convert_element_type3A_30, %cond3A_31 : i32
    scf.if %cond3A_32 {
      %dma_wait3A_121 = arith.constant 4680 : i32
      %dma_wait3A_122 = arith.constant 0 : i32
      %dma_wait3A_123 = tpu.memref_slice %arg7[%dma_wait3A_121, %dma_wait3A_122] : memref<5000x128xf32, #tpu.memory_space<vmem_shared>> -> memref<320x128xf32, #tpu.memory_space<vmem_shared>>
      %dma_wait3A_124 = arith.constant 4680 : i32
      %dma_wait3A_125 = arith.constant 0 : i32
      %dma_wait3A_126 = tpu.memref_slice %arg3[%dma_wait3A_124, %dma_wait3A_125] : memref<5000x128xf32, #tpu.memory_space<hbm>> -> memref<320x128xf32, #tpu.memory_space<hbm>>
      tpu.wait_dma2 semaphore(%arg8 : memref<!tpu.dma_semaphore, #tpu.memory_space<semaphore_mem>>) src(%dma_wait3A_126 : memref<320x128xf32, #tpu.memory_space<hbm>>) dst(%dma_wait3A_123 : memref<320x128xf32, #tpu.memory_space<vmem_shared>>)
    } else {
    }
    %barrier3A = arith.constant 0 : index
    tpu.barrier barrier_id(%barrier3A)
    %scan3A_33 = arith.constant 0 : i32
    %scan3A_34 = arith.constant 0 : i32
    %scan3A_35 = arith.constant 128 : i32
    %scan3A_36 = arith.addi %scan3A_34, %scan3A_35 : i32
    %scan3A_37 = arith.constant 1 : i32
    %scan3A_38 = scf.for %scan3A_121 = %scan3A_34 to %scan3A_36 step %scan3A_37 iter_args(%scan3A_122 = %scan3A_33) -> (i32)  : i32 {
      %swap3A = arith.constant 1 : i32
      %swap3A_123 = arith.constant 0 : i32
      %swap3A_124 = arith.constant 0 : i32
      %swap3A_125 = tpu.memref_slice %arg6[%swap3A, %swap3A_123, %swap3A_124] : memref<3x128x128xf32, #tpu.memory_space<vmem>> -> memref<1x128x128xf32, #tpu.memory_space<vmem>>
      %swap3A_126 = tpu.memref_squeeze %swap3A_125 : memref<1x128x128xf32, #tpu.memory_space<vmem>> -> memref<128x128xf32, #tpu.memory_space<vmem>>
      %swap3A_127 = arith.index_cast %scan3A_121 : i32 to index
      %swap3A_128 = arith.constant 0 : index
      %swap3A_129 = tpu.vector_load %swap3A_126[%swap3A_127, %swap3A_128] {strides = array<i32>} : memref<128x128xf32, #tpu.memory_space<vmem>>, vector<1x16xf32>,
      %swap3A_130 = vector.shape_cast %swap3A_129 : vector<1x16xf32> to vector<16xf32>
      %swap3A_131 = vector.shape_cast %broadcast_in_dim3A_9 : vector<16xf32> to vector<1x16xf32>
      tpu.vector_store %swap3A_126[%swap3A_127, %swap3A_128], %swap3A_131 {strides = array<i32>} : memref<128x128xf32, #tpu.memory_space<vmem>>, vector<1x16xf32>,
      %swap3A_132 = arith.constant 1 : i32
      %swap3A_133 = arith.constant 0 : i32
      %swap3A_134 = arith.constant 0 : i32
      %swap3A_135 = tpu.memref_slice %arg6[%swap3A_132, %swap3A_133, %swap3A_134] : memref<3x128x128xf32, #tpu.memory_space<vmem>> -> memref<1x128x128xf32, #tpu.memory_space<vmem>>
      %swap3A_136 = tpu.memref_squeeze %swap3A_135 : memref<1x128x128xf32, #tpu.memory_space<vmem>> -> memref<128x128xf32, #tpu.memory_space<vmem>>
      %swap3A_137 = arith.index_cast %scan3A_121 : i32 to index
      %swap3A_138 = arith.constant 16 : index
      %swap3A_139 = tpu.vector_load %swap3A_136[%swap3A_137, %swap3A_138] {strides = array<i32>} : memref<128x128xf32, #tpu.memory_space<vmem>>, vector<1x16xf32>,
      %swap3A_140 = vector.shape_cast %swap3A_139 : vector<1x16xf32> to vector<16xf32>
      %swap3A_141 = vector.shape_cast %broadcast_in_dim3A_9 : vector<16xf32> to vector<1x16xf32>
      tpu.vector_store %swap3A_136[%swap3A_137, %swap3A_138], %swap3A_141 {strides = array<i32>} : memref<128x128xf32, #tpu.memory_space<vmem>>, vector<1x16xf32>,
      %swap3A_142 = arith.constant 1 : i32
      %swap3A_143 = arith.constant 0 : i32
      %swap3A_144 = arith.constant 0 : i32
      %swap3A_145 = tpu.memref_slice %arg6[%swap3A_142, %swap3A_143, %swap3A_144] : memref<3x128x128xf32, #tpu.memory_space<vmem>> -> memref<1x128x128xf32, #tpu.memory_space<vmem>>
      %swap3A_146 = tpu.memref_squeeze %swap3A_145 : memref<1x128x128xf32, #tpu.memory_space<vmem>> -> memref<128x128xf32, #tpu.memory_space<vmem>>
      %swap3A_147 = arith.index_cast %scan3A_121 : i32 to index
      %swap3A_148 = arith.constant 32 : index
      %swap3A_149 = tpu.vector_load %swap3A_146[%swap3A_147, %swap3A_148] {strides = array<i32>} : memref<128x128xf32, #tpu.memory_space<vmem>>, vector<1x16xf32>,
      %swap3A_150 = vector.shape_cast %swap3A_149 : vector<1x16xf32> to vector<16xf32>
      %swap3A_151 = vector.shape_cast %broadcast_in_dim3A_9 : vector<16xf32> to vector<1x16xf32>
      tpu.vector_store %swap3A_146[%swap3A_147, %swap3A_148], %swap3A_151 {strides = array<i32>} : memref<128x128xf32, #tpu.memory_space<vmem>>, vector<1x16xf32>,
      %swap3A_152 = arith.constant 1 : i32
      %swap3A_153 = arith.constant 0 : i32
      %swap3A_154 = arith.constant 0 : i32
      %swap3A_155 = tpu.memref_slice %arg6[%swap3A_152, %swap3A_153, %swap3A_154] : memref<3x128x128xf32, #tpu.memory_space<vmem>> -> memref<1x128x128xf32, #tpu.memory_space<vmem>>
      %swap3A_156 = tpu.memref_squeeze %swap3A_155 : memref<1x128x128xf32, #tpu.memory_space<vmem>> -> memref<128x128xf32, #tpu.memory_space<vmem>>
      %swap3A_157 = arith.index_cast %scan3A_121 : i32 to index
      %swap3A_158 = arith.constant 48 : index
      %swap3A_159 = tpu.vector_load %swap3A_156[%swap3A_157, %swap3A_158] {strides = array<i32>} : memref<128x128xf32, #tpu.memory_space<vmem>>, vector<1x16xf32>,
      %swap3A_160 = vector.shape_cast %swap3A_159 : vector<1x16xf32> to vector<16xf32>
      %swap3A_161 = vector.shape_cast %broadcast_in_dim3A_9 : vector<16xf32> to vector<1x16xf32>
      tpu.vector_store %swap3A_156[%swap3A_157, %swap3A_158], %swap3A_161 {strides = array<i32>} : memref<128x128xf32, #tpu.memory_space<vmem>>, vector<1x16xf32>,
      %swap3A_162 = arith.constant 1 : i32
      %swap3A_163 = arith.constant 0 : i32
      %swap3A_164 = arith.constant 0 : i32
      %swap3A_165 = tpu.memref_slice %arg6[%swap3A_162, %swap3A_163, %swap3A_164] : memref<3x128x128xf32, #tpu.memory_space<vmem>> -> memref<1x128x128xf32, #tpu.memory_space<vmem>>
      %swap3A_166 = tpu.memref_squeeze %swap3A_165 : memref<1x128x128xf32, #tpu.memory_space<vmem>> -> memref<128x128xf32, #tpu.memory_space<vmem>>
      %swap3A_167 = arith.index_cast %scan3A_121 : i32 to index
      %swap3A_168 = arith.constant 64 : index
      %swap3A_169 = tpu.vector_load %swap3A_166[%swap3A_167, %swap3A_168] {strides = array<i32>} : memref<128x128xf32, #tpu.memory_space<vmem>>, vector<1x16xf32>,
      %swap3A_170 = vector.shape_cast %swap3A_169 : vector<1x16xf32> to vector<16xf32>
      %swap3A_171 = vector.shape_cast %broadcast_in_dim3A_9 : vector<16xf32> to vector<1x16xf32>
      tpu.vector_store %swap3A_166[%swap3A_167, %swap3A_168], %swap3A_171 {strides = array<i32>} : memref<128x128xf32, #tpu.memory_space<vmem>>, vector<1x16xf32>,
      %swap3A_172 = arith.constant 1 : i32
      %swap3A_173 = arith.constant 0 : i32
      %swap3A_174 = arith.constant 0 : i32
      %swap3A_175 = tpu.memref_slice %arg6[%swap3A_172, %swap3A_173, %swap3A_174] : memref<3x128x128xf32, #tpu.memory_space<vmem>> -> memref<1x128x128xf32, #tpu.memory_space<vmem>>
      %swap3A_176 = tpu.memref_squeeze %swap3A_175 : memref<1x128x128xf32, #tpu.memory_space<vmem>> -> memref<128x128xf32, #tpu.memory_space<vmem>>
      %swap3A_177 = arith.index_cast %scan3A_121 : i32 to index
      %swap3A_178 = arith.constant 80 : index
      %swap3A_179 = tpu.vector_load %swap3A_176[%swap3A_177, %swap3A_178] {strides = array<i32>} : memref<128x128xf32, #tpu.memory_space<vmem>>, vector<1x16xf32>,
      %swap3A_180 = vector.shape_cast %swap3A_179 : vector<1x16xf32> to vector<16xf32>
      %swap3A_181 = vector.shape_cast %broadcast_in_dim3A_9 : vector<16xf32> to vector<1x16xf32>
      tpu.vector_store %swap3A_176[%swap3A_177, %swap3A_178], %swap3A_181 {strides = array<i32>} : memref<128x128xf32, #tpu.memory_space<vmem>>, vector<1x16xf32>,
      %swap3A_182 = arith.constant 1 : i32
      %swap3A_183 = arith.constant 0 : i32
      %swap3A_184 = arith.constant 0 : i32
      %swap3A_185 = tpu.memref_slice %arg6[%swap3A_182, %swap3A_183, %swap3A_184] : memref<3x128x128xf32, #tpu.memory_space<vmem>> -> memref<1x128x128xf32, #tpu.memory_space<vmem>>
      %swap3A_186 = tpu.memref_squeeze %swap3A_185 : memref<1x128x128xf32, #tpu.memory_space<vmem>> -> memref<128x128xf32, #tpu.memory_space<vmem>>
      %swap3A_187 = arith.index_cast %scan3A_121 : i32 to index
      %swap3A_188 = arith.constant 96 : index
      %swap3A_189 = tpu.vector_load %swap3A_186[%swap3A_187, %swap3A_188] {strides = array<i32>} : memref<128x128xf32, #tpu.memory_space<vmem>>, vector<1x16xf32>,
      %swap3A_190 = vector.shape_cast %swap3A_189 : vector<1x16xf32> to vector<16xf32>
      %swap3A_191 = vector.shape_cast %broadcast_in_dim3A_9 : vector<16xf32> to vector<1x16xf32>
      tpu.vector_store %swap3A_186[%swap3A_187, %swap3A_188], %swap3A_191 {strides = array<i32>} : memref<128x128xf32, #tpu.memory_space<vmem>>, vector<1x16xf32>,
      %swap3A_192 = arith.constant 1 : i32
      %swap3A_193 = arith.constant 0 : i32
      %swap3A_194 = arith.constant 0 : i32
      %swap3A_195 = tpu.memref_slice %arg6[%swap3A_192, %swap3A_193, %swap3A_194] : memref<3x128x128xf32, #tpu.memory_space<vmem>> -> memref<1x128x128xf32, #tpu.memory_space<vmem>>
      %swap3A_196 = tpu.memref_squeeze %swap3A_195 : memref<1x128x128xf32, #tpu.memory_space<vmem>> -> memref<128x128xf32, #tpu.memory_space<vmem>>
      %swap3A_197 = arith.index_cast %scan3A_121 : i32 to index
      %swap3A_198 = arith.constant 112 : index
      %swap3A_199 = tpu.vector_load %swap3A_196[%swap3A_197, %swap3A_198] {strides = array<i32>} : memref<128x128xf32, #tpu.memory_space<vmem>>, vector<1x16xf32>,
      %swap3A_200 = vector.shape_cast %swap3A_199 : vector<1x16xf32> to vector<16xf32>
      %swap3A_201 = vector.shape_cast %broadcast_in_dim3A_9 : vector<16xf32> to vector<1x16xf32>
      tpu.vector_store %swap3A_196[%swap3A_197, %swap3A_198], %swap3A_201 {strides = array<i32>} : memref<128x128xf32, #tpu.memory_space<vmem>>, vector<1x16xf32>,
      %scan3A_202 = arith.constant 0 : i32
      scf.yield %scan3A_202 : i32
    }
    %scan3A_39 = arith.constant 128 : i32
    %scan3A_40 = arith.constant 0 : i32
    %scan3A_41 = arith.constant 0 : i32
    %scan3A_42 = arith.constant 10 : i32
    %scan3A_43 = arith.addi %scan3A_41, %scan3A_42 : i32
    %scan3A_44 = arith.constant 1 : i32
    %scan3A_45 = scf.for %scan3A_121 = %scan3A_41 to %scan3A_43 step %scan3A_44 iter_args(%scan3A_122 = %scan3A_40) -> (i32)  : i32 {
      %dma_start3A = arith.constant 1 : i32
      %dma_start3A_123 = arith.constant 1 : i32
      %dma_start3A_124 = arith.constant 1 : i32
      %dma_start3A_125 = arith.constant 0 : i32
      %dma_start3A_126 = arith.constant 0 : i32
      %dma_start3A_127 = tpu.memref_slice %arg6[%dma_start3A_123, %dma_start3A_125, %dma_start3A_126] : memref<3x128x128xf32, #tpu.memory_space<vmem>> -> memref<1x128x128xf32, #tpu.memory_space<vmem>>
      %dma_start3A_128 = tpu.memref_squeeze %dma_start3A_127 : memref<1x128x128xf32, #tpu.memory_space<vmem>> -> memref<128x128xf32, #tpu.memory_space<vmem>>
      %dma_start3A_129 = arith.constant 0 : i32
      %dma_start3A_130 = tpu.memref_slice %arg5[%scan3A_121, %dma_start3A, %dma_start3A_129] : memref<10x4x128xi32, #tpu.memory_space<vmem>> -> memref<1x1x128xi32, #tpu.memory_space<vmem>>
      %dma_start3A_131 = tpu.memref_squeeze %dma_start3A_130 : memref<1x1x128xi32, #tpu.memory_space<vmem>> -> memref<128xi32, #tpu.memory_space<vmem>>
      %dma_start3A_132 = arith.constant 0 : i32
      %dma_start3A_133 = arith.constant 0 : i32
      %dma_start3A_134 = tpu.memref_slice %arg7[%dma_start3A_132, %dma_start3A_133] : memref<5000x128xf32, #tpu.memory_space<vmem_shared>> -> memref<5000x128xf32, #tpu.memory_space<vmem_shared>>
      %dma_start3A_135 = tpu.memref_slice %arg10[%dma_start3A_124] : memref<3x!tpu.dma_semaphore, #tpu.memory_space<semaphore_mem>> -> memref<1x!tpu.dma_semaphore, #tpu.memory_space<semaphore_mem>>
      %dma_start3A_136 = tpu.memref_squeeze %dma_start3A_135 : memref<1x!tpu.dma_semaphore, #tpu.memory_space<semaphore_mem>> -> memref<!tpu.dma_semaphore, #tpu.memory_space<semaphore_mem>>
      tpu.enqueue_indirect_dma source(%dma_start3A_134 : memref<5000x128xf32, #tpu.memory_space<vmem_shared>>) target(%dma_start3A_128 : memref<128x128xf32, #tpu.memory_space<vmem>>) offsets(%dma_start3A_131 : memref<128xi32, #tpu.memory_space<vmem>>) semaphore(%dma_start3A_136 : memref<!tpu.dma_semaphore, #tpu.memory_space<semaphore_mem>>) {add = true}
      %scan3A_137 = arith.constant 0 : i32
      scf.yield %scan3A_137 : i32
    }
    %scan3A_46 = arith.constant 10 : i32
    %scan3A_47 = arith.constant 0 : i32
    %scan3A_48 = arith.constant 0 : i32
    %scan3A_49 = arith.constant 128 : i32
    %scan3A_50 = arith.addi %scan3A_48, %scan3A_49 : i32
    %scan3A_51 = arith.constant 1 : i32
    %scan3A_52 = scf.for %scan3A_121 = %scan3A_48 to %scan3A_50 step %scan3A_51 iter_args(%scan3A_122 = %scan3A_47) -> (i32)  : i32 {
      %swap3A = arith.constant 2 : i32
      %swap3A_123 = arith.constant 0 : i32
      %swap3A_124 = arith.constant 0 : i32
      %swap3A_125 = tpu.memref_slice %arg6[%swap3A, %swap3A_123, %swap3A_124] : memref<3x128x128xf32, #tpu.memory_space<vmem>> -> memref<1x128x128xf32, #tpu.memory_space<vmem>>
      %swap3A_126 = tpu.memref_squeeze %swap3A_125 : memref<1x128x128xf32, #tpu.memory_space<vmem>> -> memref<128x128xf32, #tpu.memory_space<vmem>>
      %swap3A_127 = arith.index_cast %scan3A_121 : i32 to index
      %swap3A_128 = arith.constant 0 : index
      %swap3A_129 = tpu.vector_load %swap3A_126[%swap3A_127, %swap3A_128] {strides = array<i32>} : memref<128x128xf32, #tpu.memory_space<vmem>>, vector<1x16xf32>,
      %swap3A_130 = vector.shape_cast %swap3A_129 : vector<1x16xf32> to vector<16xf32>
      %swap3A_131 = vector.shape_cast %broadcast_in_dim3A_9 : vector<16xf32> to vector<1x16xf32>
      tpu.vector_store %swap3A_126[%swap3A_127, %swap3A_128], %swap3A_131 {strides = array<i32>} : memref<128x128xf32, #tpu.memory_space<vmem>>, vector<1x16xf32>,
      %swap3A_132 = arith.constant 2 : i32
      %swap3A_133 = arith.constant 0 : i32
      %swap3A_134 = arith.constant 0 : i32
      %swap3A_135 = tpu.memref_slice %arg6[%swap3A_132, %swap3A_133, %swap3A_134] : memref<3x128x128xf32, #tpu.memory_space<vmem>> -> memref<1x128x128xf32, #tpu.memory_space<vmem>>
      %swap3A_136 = tpu.memref_squeeze %swap3A_135 : memref<1x128x128xf32, #tpu.memory_space<vmem>> -> memref<128x128xf32, #tpu.memory_space<vmem>>
      %swap3A_137 = arith.index_cast %scan3A_121 : i32 to index
      %swap3A_138 = arith.constant 16 : index
      %swap3A_139 = tpu.vector_load %swap3A_136[%swap3A_137, %swap3A_138] {strides = array<i32>} : memref<128x128xf32, #tpu.memory_space<vmem>>, vector<1x16xf32>,
      %swap3A_140 = vector.shape_cast %swap3A_139 : vector<1x16xf32> to vector<16xf32>
      %swap3A_141 = vector.shape_cast %broadcast_in_dim3A_9 : vector<16xf32> to vector<1x16xf32>
      tpu.vector_store %swap3A_136[%swap3A_137, %swap3A_138], %swap3A_141 {strides = array<i32>} : memref<128x128xf32, #tpu.memory_space<vmem>>, vector<1x16xf32>,
      %swap3A_142 = arith.constant 2 : i32
      %swap3A_143 = arith.constant 0 : i32
      %swap3A_144 = arith.constant 0 : i32
      %swap3A_145 = tpu.memref_slice %arg6[%swap3A_142, %swap3A_143, %swap3A_144] : memref<3x128x128xf32, #tpu.memory_space<vmem>> -> memref<1x128x128xf32, #tpu.memory_space<vmem>>
      %swap3A_146 = tpu.memref_squeeze %swap3A_145 : memref<1x128x128xf32, #tpu.memory_space<vmem>> -> memref<128x128xf32, #tpu.memory_space<vmem>>
      %swap3A_147 = arith.index_cast %scan3A_121 : i32 to index
      %swap3A_148 = arith.constant 32 : index
      %swap3A_149 = tpu.vector_load %swap3A_146[%swap3A_147, %swap3A_148] {strides = array<i32>} : memref<128x128xf32, #tpu.memory_space<vmem>>, vector<1x16xf32>,
      %swap3A_150 = vector.shape_cast %swap3A_149 : vector<1x16xf32> to vector<16xf32>
      %swap3A_151 = vector.shape_cast %broadcast_in_dim3A_9 : vector<16xf32> to vector<1x16xf32>
      tpu.vector_store %swap3A_146[%swap3A_147, %swap3A_148], %swap3A_151 {strides = array<i32>} : memref<128x128xf32, #tpu.memory_space<vmem>>, vector<1x16xf32>,
      %swap3A_152 = arith.constant 2 : i32
      %swap3A_153 = arith.constant 0 : i32
      %swap3A_154 = arith.constant 0 : i32
      %swap3A_155 = tpu.memref_slice %arg6[%swap3A_152, %swap3A_153, %swap3A_154] : memref<3x128x128xf32, #tpu.memory_space<vmem>> -> memref<1x128x128xf32, #tpu.memory_space<vmem>>
      %swap3A_156 = tpu.memref_squeeze %swap3A_155 : memref<1x128x128xf32, #tpu.memory_space<vmem>> -> memref<128x128xf32, #tpu.memory_space<vmem>>
      %swap3A_157 = arith.index_cast %scan3A_121 : i32 to index
      %swap3A_158 = arith.constant 48 : index
      %swap3A_159 = tpu.vector_load %swap3A_156[%swap3A_157, %swap3A_158] {strides = array<i32>} : memref<128x128xf32, #tpu.memory_space<vmem>>, vector<1x16xf32>,
      %swap3A_160 = vector.shape_cast %swap3A_159 : vector<1x16xf32> to vector<16xf32>
      %swap3A_161 = vector.shape_cast %broadcast_in_dim3A_9 : vector<16xf32> to vector<1x16xf32>
      tpu.vector_store %swap3A_156[%swap3A_157, %swap3A_158], %swap3A_161 {strides = array<i32>} : memref<128x128xf32, #tpu.memory_space<vmem>>, vector<1x16xf32>,
      %swap3A_162 = arith.constant 2 : i32
      %swap3A_163 = arith.constant 0 : i32
      %swap3A_164 = arith.constant 0 : i32
      %swap3A_165 = tpu.memref_slice %arg6[%swap3A_162, %swap3A_163, %swap3A_164] : memref<3x128x128xf32, #tpu.memory_space<vmem>> -> memref<1x128x128xf32, #tpu.memory_space<vmem>>
      %swap3A_166 = tpu.memref_squeeze %swap3A_165 : memref<1x128x128xf32, #tpu.memory_space<vmem>> -> memref<128x128xf32, #tpu.memory_space<vmem>>
      %swap3A_167 = arith.index_cast %scan3A_121 : i32 to index
      %swap3A_168 = arith.constant 64 : index
      %swap3A_169 = tpu.vector_load %swap3A_166[%swap3A_167, %swap3A_168] {strides = array<i32>} : memref<128x128xf32, #tpu.memory_space<vmem>>, vector<1x16xf32>,
      %swap3A_170 = vector.shape_cast %swap3A_169 : vector<1x16xf32> to vector<16xf32>
      %swap3A_171 = vector.shape_cast %broadcast_in_dim3A_9 : vector<16xf32> to vector<1x16xf32>
      tpu.vector_store %swap3A_166[%swap3A_167, %swap3A_168], %swap3A_171 {strides = array<i32>} : memref<128x128xf32, #tpu.memory_space<vmem>>, vector<1x16xf32>,
      %swap3A_172 = arith.constant 2 : i32
      %swap3A_173 = arith.constant 0 : i32
      %swap3A_174 = arith.constant 0 : i32
      %swap3A_175 = tpu.memref_slice %arg6[%swap3A_172, %swap3A_173, %swap3A_174] : memref<3x128x128xf32, #tpu.memory_space<vmem>> -> memref<1x128x128xf32, #tpu.memory_space<vmem>>
      %swap3A_176 = tpu.memref_squeeze %swap3A_175 : memref<1x128x128xf32, #tpu.memory_space<vmem>> -> memref<128x128xf32, #tpu.memory_space<vmem>>
      %swap3A_177 = arith.index_cast %scan3A_121 : i32 to index
      %swap3A_178 = arith.constant 80 : index
      %swap3A_179 = tpu.vector_load %swap3A_176[%swap3A_177, %swap3A_178] {strides = array<i32>} : memref<128x128xf32, #tpu.memory_space<vmem>>, vector<1x16xf32>,
      %swap3A_180 = vector.shape_cast %swap3A_179 : vector<1x16xf32> to vector<16xf32>
      %swap3A_181 = vector.shape_cast %broadcast_in_dim3A_9 : vector<16xf32> to vector<1x16xf32>
      tpu.vector_store %swap3A_176[%swap3A_177, %swap3A_178], %swap3A_181 {strides = array<i32>} : memref<128x128xf32, #tpu.memory_space<vmem>>, vector<1x16xf32>,
      %swap3A_182 = arith.constant 2 : i32
      %swap3A_183 = arith.constant 0 : i32
      %swap3A_184 = arith.constant 0 : i32
      %swap3A_185 = tpu.memref_slice %arg6[%swap3A_182, %swap3A_183, %swap3A_184] : memref<3x128x128xf32, #tpu.memory_space<vmem>> -> memref<1x128x128xf32, #tpu.memory_space<vmem>>
      %swap3A_186 = tpu.memref_squeeze %swap3A_185 : memref<1x128x128xf32, #tpu.memory_space<vmem>> -> memref<128x128xf32, #tpu.memory_space<vmem>>
      %swap3A_187 = arith.index_cast %scan3A_121 : i32 to index
      %swap3A_188 = arith.constant 96 : index
      %swap3A_189 = tpu.vector_load %swap3A_186[%swap3A_187, %swap3A_188] {strides = array<i32>} : memref<128x128xf32, #tpu.memory_space<vmem>>, vector<1x16xf32>,
      %swap3A_190 = vector.shape_cast %swap3A_189 : vector<1x16xf32> to vector<16xf32>
      %swap3A_191 = vector.shape_cast %broadcast_in_dim3A_9 : vector<16xf32> to vector<1x16xf32>
      tpu.vector_store %swap3A_186[%swap3A_187, %swap3A_188], %swap3A_191 {strides = array<i32>} : memref<128x128xf32, #tpu.memory_space<vmem>>, vector<1x16xf32>,
      %swap3A_192 = arith.constant 2 : i32
      %swap3A_193 = arith.constant 0 : i32
      %swap3A_194 = arith.constant 0 : i32
      %swap3A_195 = tpu.memref_slice %arg6[%swap3A_192, %swap3A_193, %swap3A_194] : memref<3x128x128xf32, #tpu.memory_space<vmem>> -> memref<1x128x128xf32, #tpu.memory_space<vmem>>
      %swap3A_196 = tpu.memref_squeeze %swap3A_195 : memref<1x128x128xf32, #tpu.memory_space<vmem>> -> memref<128x128xf32, #tpu.memory_space<vmem>>
      %swap3A_197 = arith.index_cast %scan3A_121 : i32 to index
      %swap3A_198 = arith.constant 112 : index
      %swap3A_199 = tpu.vector_load %swap3A_196[%swap3A_197, %swap3A_198] {strides = array<i32>} : memref<128x128xf32, #tpu.memory_space<vmem>>, vector<1x16xf32>,
      %swap3A_200 = vector.shape_cast %swap3A_199 : vector<1x16xf32> to vector<16xf32>
      %swap3A_201 = vector.shape_cast %broadcast_in_dim3A_9 : vector<16xf32> to vector<1x16xf32>
      tpu.vector_store %swap3A_196[%swap3A_197, %swap3A_198], %swap3A_201 {strides = array<i32>} : memref<128x128xf32, #tpu.memory_space<vmem>>, vector<1x16xf32>,
      %scan3A_202 = arith.constant 0 : i32
      scf.yield %scan3A_202 : i32
    }
    %scan3A_53 = arith.constant 128 : i32
    %scan3A_54 = arith.constant 0 : i32
    %scan3A_55 = arith.constant 0 : i32
    %scan3A_56 = arith.constant 10 : i32
    %scan3A_57 = arith.addi %scan3A_55, %scan3A_56 : i32
    %scan3A_58 = arith.constant 1 : i32
    %scan3A_59 = scf.for %scan3A_121 = %scan3A_55 to %scan3A_57 step %scan3A_58 iter_args(%scan3A_122 = %scan3A_54) -> (i32)  : i32 {
      %dma_start3A = arith.constant 2 : i32
      %dma_start3A_123 = arith.constant 2 : i32
      %dma_start3A_124 = arith.constant 2 : i32
      %dma_start3A_125 = arith.constant 0 : i32
      %dma_start3A_126 = arith.constant 0 : i32
      %dma_start3A_127 = tpu.memref_slice %arg6[%dma_start3A_123, %dma_start3A_125, %dma_start3A_126] : memref<3x128x128xf32, #tpu.memory_space<vmem>> -> memref<1x128x128xf32, #tpu.memory_space<vmem>>
      %dma_start3A_128 = tpu.memref_squeeze %dma_start3A_127 : memref<1x128x128xf32, #tpu.memory_space<vmem>> -> memref<128x128xf32, #tpu.memory_space<vmem>>
      %dma_start3A_129 = arith.constant 0 : i32
      %dma_start3A_130 = tpu.memref_slice %arg5[%scan3A_121, %dma_start3A, %dma_start3A_129] : memref<10x4x128xi32, #tpu.memory_space<vmem>> -> memref<1x1x128xi32, #tpu.memory_space<vmem>>
      %dma_start3A_131 = tpu.memref_squeeze %dma_start3A_130 : memref<1x1x128xi32, #tpu.memory_space<vmem>> -> memref<128xi32, #tpu.memory_space<vmem>>
      %dma_start3A_132 = arith.constant 0 : i32
      %dma_start3A_133 = arith.constant 0 : i32
      %dma_start3A_134 = tpu.memref_slice %arg7[%dma_start3A_132, %dma_start3A_133] : memref<5000x128xf32, #tpu.memory_space<vmem_shared>> -> memref<5000x128xf32, #tpu.memory_space<vmem_shared>>
      %dma_start3A_135 = tpu.memref_slice %arg10[%dma_start3A_124] : memref<3x!tpu.dma_semaphore, #tpu.memory_space<semaphore_mem>> -> memref<1x!tpu.dma_semaphore, #tpu.memory_space<semaphore_mem>>
      %dma_start3A_136 = tpu.memref_squeeze %dma_start3A_135 : memref<1x!tpu.dma_semaphore, #tpu.memory_space<semaphore_mem>> -> memref<!tpu.dma_semaphore, #tpu.memory_space<semaphore_mem>>
      tpu.enqueue_indirect_dma source(%dma_start3A_134 : memref<5000x128xf32, #tpu.memory_space<vmem_shared>>) target(%dma_start3A_128 : memref<128x128xf32, #tpu.memory_space<vmem>>) offsets(%dma_start3A_131 : memref<128xi32, #tpu.memory_space<vmem>>) semaphore(%dma_start3A_136 : memref<!tpu.dma_semaphore, #tpu.memory_space<semaphore_mem>>) {add = true}
      %scan3A_137 = arith.constant 0 : i32
      scf.yield %scan3A_137 : i32
    }
    %scan3A_60 = arith.constant 10 : i32
    %scan3A_61 = arith.constant 0 : i32
    %scan3A_62 = arith.constant 0 : i32
    %scan3A_63 = arith.constant 4 : i32
    %scan3A_64 = arith.addi %scan3A_62, %scan3A_63 : i32
    %scan3A_65 = arith.constant 1 : i32
    %scan3A_66 = scf.for %scan3A_121 = %scan3A_62 to %scan3A_64 step %scan3A_65 iter_args(%scan3A_122 = %scan3A_61) -> (i32)  : i32 {
      %jit3A = arith.constant 3 : i32
      %eq3A_123 = arith.constant 0 : i32
      %eq3A_124 = arith.cmpi eq, %jit3A, %eq3A_123 : i32
      %jit3A_125 = arith.constant 1 : i32
      %select_n3A = arith.select %eq3A_124, %jit3A_125, %jit3A : i32
      %rem3A = arith.remsi %scan3A_121, %select_n3A : i32
      %ne3A = arith.constant 0 : i32
      %ne3A_126 = arith.cmpi ne, %rem3A, %ne3A : i32
      %lt3A_127 = arith.constant 0 : i32
      %lt3A_128 = arith.cmpi slt, %rem3A, %lt3A_127 : i32
      %lt3A_129 = arith.constant 0 : i32
      %lt3A_130 = arith.cmpi slt, %select_n3A, %lt3A_129 : i32
      %ne3A_131 = arith.xori %lt3A_128, %lt3A_130 : i1
      %and3A = arith.andi %ne3A_131, %ne3A_126 : i1
      %add3A_132 = arith.addi %rem3A, %select_n3A : i32
      %select_n3A_133 = arith.select %and3A, %add3A_132, %rem3A : i32
      %eq3A_134 = arith.constant 0 : i32
      %eq3A_135 = arith.cmpi eq, %scan3A_121, %eq3A_134 : i32
      %convert_element_type3A_136 = arith.extui %eq3A_135 : i1 to i32
      %cond3A_137 = arith.constant 0 : i32
      %cond3A_138 = arith.cmpi ne, %convert_element_type3A_136, %cond3A_137 : i32
      scf.if %cond3A_138 {
        %scan3A_167 = arith.constant 0 : i32
        %scan3A_168 = arith.constant 0 : i32
        %scan3A_169 = arith.constant 10 : i32
        %scan3A_170 = arith.addi %scan3A_168, %scan3A_169 : i32
        %scan3A_171 = arith.constant 1 : i32
        %scan3A_172 = scf.for %scan3A_174 = %scan3A_168 to %scan3A_170 step %scan3A_171 iter_args(%scan3A_175 = %scan3A_167) -> (i32)  : i32 {
          %dma_wait3A_176 = arith.constant 0 : i32
          %dma_wait3A_177 = arith.constant 0 : i32
          %dma_wait3A_178 = tpu.memref_slice %arg6[%select_n3A_133, %dma_wait3A_176, %dma_wait3A_177] : memref<3x128x128xf32, #tpu.memory_space<vmem>> -> memref<1x128x128xf32, #tpu.memory_space<vmem>>
          %dma_wait3A_179 = tpu.memref_squeeze %dma_wait3A_178 : memref<1x128x128xf32, #tpu.memory_space<vmem>> -> memref<128x128xf32, #tpu.memory_space<vmem>>
          %dma_wait3A_180 = arith.constant 0 : i32
          %dma_wait3A_181 = tpu.memref_slice %arg5[%scan3A_174, %scan3A_121, %dma_wait3A_180] : memref<10x4x128xi32, #tpu.memory_space<vmem>> -> memref<1x1x128xi32, #tpu.memory_space<vmem>>
          %dma_wait3A_182 = tpu.memref_squeeze %dma_wait3A_181 : memref<1x1x128xi32, #tpu.memory_space<vmem>> -> memref<128xi32, #tpu.memory_space<vmem>>
          %dma_wait3A_183 = arith.constant 0 : i32
          %dma_wait3A_184 = arith.constant 0 : i32
          %dma_wait3A_185 = tpu.memref_slice %arg3[%dma_wait3A_183, %dma_wait3A_184] : memref<5000x128xf32, #tpu.memory_space<hbm>> -> memref<5000x128xf32, #tpu.memory_space<hbm>>
          tpu.wait_indirect_dma semaphore(%arg9 : memref<!tpu.dma_semaphore, #tpu.memory_space<semaphore_mem>>) src(%dma_wait3A_185 : memref<5000x128xf32, #tpu.memory_space<hbm>>) dst(%dma_wait3A_179 : memref<128x128xf32, #tpu.memory_space<vmem>>)
          %scan3A_186 = arith.constant 0 : i32
          scf.yield %scan3A_186 : i32
        }
        %scan3A_173 = arith.constant 10 : i32
      } else {
      }
      %gt3A = arith.constant 0 : i32
      %gt3A_139 = arith.cmpi sgt, %scan3A_121, %gt3A : i32
      %convert_element_type3A_140 = arith.extui %gt3A_139 : i1 to i32
      %cond3A_141 = arith.constant 0 : i32
      %cond3A_142 = arith.cmpi ne, %convert_element_type3A_140, %cond3A_141 : i32
      scf.if %cond3A_142 {
        %scan3A_167 = arith.constant 0 : i32
        %scan3A_168 = arith.constant 0 : i32
        %scan3A_169 = arith.constant 10 : i32
        %scan3A_170 = arith.addi %scan3A_168, %scan3A_169 : i32
        %scan3A_171 = arith.constant 1 : i32
        %scan3A_172 = scf.for %scan3A_174 = %scan3A_168 to %scan3A_170 step %scan3A_171 iter_args(%scan3A_175 = %scan3A_167) -> (i32)  : i32 {
          %dma_wait3A_176 = arith.constant 0 : i32
          %dma_wait3A_177 = arith.constant 0 : i32
          %dma_wait3A_178 = tpu.memref_slice %arg6[%select_n3A_133, %dma_wait3A_176, %dma_wait3A_177] : memref<3x128x128xf32, #tpu.memory_space<vmem>> -> memref<1x128x128xf32, #tpu.memory_space<vmem>>
          %dma_wait3A_179 = tpu.memref_squeeze %dma_wait3A_178 : memref<1x128x128xf32, #tpu.memory_space<vmem>> -> memref<128x128xf32, #tpu.memory_space<vmem>>
          %dma_wait3A_180 = arith.constant 0 : i32
          %dma_wait3A_181 = tpu.memref_slice %arg5[%scan3A_174, %scan3A_121, %dma_wait3A_180] : memref<10x4x128xi32, #tpu.memory_space<vmem>> -> memref<1x1x128xi32, #tpu.memory_space<vmem>>
          %dma_wait3A_182 = tpu.memref_squeeze %dma_wait3A_181 : memref<1x1x128xi32, #tpu.memory_space<vmem>> -> memref<128xi32, #tpu.memory_space<vmem>>
          %dma_wait3A_183 = arith.constant 0 : i32
          %dma_wait3A_184 = arith.constant 0 : i32
          %dma_wait3A_185 = tpu.memref_slice %arg7[%dma_wait3A_183, %dma_wait3A_184] : memref<5000x128xf32, #tpu.memory_space<vmem_shared>> -> memref<5000x128xf32, #tpu.memory_space<vmem_shared>>
          %dma_wait3A_186 = tpu.memref_slice %arg10[%select_n3A_133] : memref<3x!tpu.dma_semaphore, #tpu.memory_space<semaphore_mem>> -> memref<1x!tpu.dma_semaphore, #tpu.memory_space<semaphore_mem>>
          %dma_wait3A_187 = tpu.memref_squeeze %dma_wait3A_186 : memref<1x!tpu.dma_semaphore, #tpu.memory_space<semaphore_mem>> -> memref<!tpu.dma_semaphore, #tpu.memory_space<semaphore_mem>>
          tpu.wait_indirect_dma semaphore(%dma_wait3A_187 : memref<!tpu.dma_semaphore, #tpu.memory_space<semaphore_mem>>) src(%dma_wait3A_185 : memref<5000x128xf32, #tpu.memory_space<vmem_shared>>) dst(%dma_wait3A_179 : memref<128x128xf32, #tpu.memory_space<vmem>>)
          %scan3A_188 = arith.constant 0 : i32
          scf.yield %scan3A_188 : i32
        }
        %scan3A_173 = arith.constant 10 : i32
      } else {
      }
      %mul3A_143 = arith.constant 128 : i32
      %mul3A_144 = arith.muli %scan3A_121, %mul3A_143 : i32
      %add3A_145 = arith.addi %mul3A_2, %mul3A_144 : i32
      %dma_start3A = arith.constant 0 : i32
      %dma_start3A_146 = arith.constant 0 : i32
      %dma_start3A_147 = tpu.memref_slice %arg6[%select_n3A_133, %dma_start3A, %dma_start3A_146] : memref<3x128x128xf32, #tpu.memory_space<vmem>> -> memref<1x128x128xf32, #tpu.memory_space<vmem>>
      %dma_start3A_148 = tpu.memref_squeeze %dma_start3A_147 : memref<1x128x128xf32, #tpu.memory_space<vmem>> -> memref<128x128xf32, #tpu.memory_space<vmem>>
      %dma_start3A_149 = arith.constant 0 : i32
      %dma_start3A_150 = tpu.memref_slice %arg4[%add3A_145, %dma_start3A_149] : memref<16384x128xf32, #tpu.memory_space<hbm>> -> memref<128x128xf32, #tpu.memory_space<hbm>>
      %dma_start3A_151 = tpu.memref_slice %arg11[%select_n3A_133] : memref<3x!tpu.dma_semaphore, #tpu.memory_space<semaphore_mem>> -> memref<1x!tpu.dma_semaphore, #tpu.memory_space<semaphore_mem>>
      %dma_start3A_152 = tpu.memref_squeeze %dma_start3A_151 : memref<1x!tpu.dma_semaphore, #tpu.memory_space<semaphore_mem>> -> memref<!tpu.dma_semaphore, #tpu.memory_space<semaphore_mem>>
      %dma_start3A_153 = arith.constant 0 : i32
      %dma_start3A_154 = tpu.memref_slice %arg4[%add3A_145, %dma_start3A_153] : memref<16384x128xf32, #tpu.memory_space<hbm>> -> memref<128x128xf32, #tpu.memory_space<hbm>>
      %dma_start3A_155 = arith.constant 0 : i32
      %dma_start3A_156 = arith.constant 0 : i32
      %dma_start3A_157 = tpu.memref_slice %arg6[%select_n3A_133, %dma_start3A_155, %dma_start3A_156] : memref<3x128x128xf32, #tpu.memory_space<vmem>> -> memref<1x128x128xf32, #tpu.memory_space<vmem>>
      %dma_start3A_158 = tpu.memref_squeeze %dma_start3A_157 : memref<1x128x128xf32, #tpu.memory_space<vmem>> -> memref<128x128xf32, #tpu.memory_space<vmem>>
      tpu.enqueue_dma source(%dma_start3A_158 : memref<128x128xf32, #tpu.memory_space<vmem>>) target(%dma_start3A_154 : memref<128x128xf32, #tpu.memory_space<hbm>>) target_semaphore(%dma_start3A_152 : memref<!tpu.dma_semaphore, #tpu.memory_space<semaphore_mem>>)
      %add3A_159 = arith.constant 3 : i32
      %add3A_160 = arith.addi %scan3A_121, %add3A_159 : i32
      %lt3A_161 = arith.constant 4 : i32
      %lt3A_162 = arith.cmpi slt, %add3A_160, %lt3A_161 : i32
      %convert_element_type3A_163 = arith.extui %lt3A_162 : i1 to i32
      %cond3A_164 = arith.constant 0 : i32
      %cond3A_165 = arith.cmpi ne, %convert_element_type3A_163, %cond3A_164 : i32
      scf.if %cond3A_165 {
        %mul3A_167 = arith.constant 128 : i32
        %mul3A_168 = arith.muli %scan3A_121, %mul3A_167 : i32
        %add3A_169 = arith.addi %mul3A_2, %mul3A_168 : i32
        %dma_wait3A_170 = arith.constant 0 : i32
        %dma_wait3A_171 = arith.constant 0 : i32
        %dma_wait3A_172 = tpu.memref_slice %arg6[%select_n3A_133, %dma_wait3A_170, %dma_wait3A_171] : memref<3x128x128xf32, #tpu.memory_space<vmem>> -> memref<1x128x128xf32, #tpu.memory_space<vmem>>
        %dma_wait3A_173 = tpu.memref_squeeze %dma_wait3A_172 : memref<1x128x128xf32, #tpu.memory_space<vmem>> -> memref<128x128xf32, #tpu.memory_space<vmem>>
        %dma_wait3A_174 = arith.constant 0 : i32
        %dma_wait3A_175 = tpu.memref_slice %arg4[%add3A_169, %dma_wait3A_174] : memref<16384x128xf32, #tpu.memory_space<hbm>> -> memref<128x128xf32, #tpu.memory_space<hbm>>
        %dma_wait3A_176 = tpu.memref_slice %arg11[%select_n3A_133] : memref<3x!tpu.dma_semaphore, #tpu.memory_space<semaphore_mem>> -> memref<1x!tpu.dma_semaphore, #tpu.memory_space<semaphore_mem>>
        %dma_wait3A_177 = tpu.memref_squeeze %dma_wait3A_176 : memref<1x!tpu.dma_semaphore, #tpu.memory_space<semaphore_mem>> -> memref<!tpu.dma_semaphore, #tpu.memory_space<semaphore_mem>>
        %dma_wait3A_178 = arith.constant 0 : i32
        %dma_wait3A_179 = tpu.memref_slice %arg4[%add3A_169, %dma_wait3A_178] : memref<16384x128xf32, #tpu.memory_space<hbm>> -> memref<128x128xf32, #tpu.memory_space<hbm>>
        %dma_wait3A_180 = arith.constant 0 : i32
        %dma_wait3A_181 = arith.constant 0 : i32
        %dma_wait3A_182 = tpu.memref_slice %arg6[%select_n3A_133, %dma_wait3A_180, %dma_wait3A_181] : memref<3x128x128xf32, #tpu.memory_space<vmem>> -> memref<1x128x128xf32, #tpu.memory_space<vmem>>
        %dma_wait3A_183 = tpu.memref_squeeze %dma_wait3A_182 : memref<1x128x128xf32, #tpu.memory_space<vmem>> -> memref<128x128xf32, #tpu.memory_space<vmem>>
        tpu.wait_dma2 semaphore(%dma_wait3A_177 : memref<!tpu.dma_semaphore, #tpu.memory_space<semaphore_mem>>) src(%dma_wait3A_183 : memref<128x128xf32, #tpu.memory_space<vmem>>) dst(%dma_wait3A_179 : memref<128x128xf32, #tpu.memory_space<hbm>>)
        %scan3A_184 = arith.constant 0 : i32
        %scan3A_185 = arith.constant 0 : i32
        %scan3A_186 = arith.constant 128 : i32
        %scan3A_187 = arith.addi %scan3A_185, %scan3A_186 : i32
        %scan3A_188 = arith.constant 1 : i32
        %scan3A_189 = scf.for %scan3A_200 = %scan3A_185 to %scan3A_187 step %scan3A_188 iter_args(%scan3A_201 = %scan3A_184) -> (i32)  : i32 {
          %swap3A = arith.constant 0 : i32
          %swap3A_202 = arith.constant 0 : i32
          %swap3A_203 = tpu.memref_slice %arg6[%select_n3A_133, %swap3A, %swap3A_202] : memref<3x128x128xf32, #tpu.memory_space<vmem>> -> memref<1x128x128xf32, #tpu.memory_space<vmem>>
          %swap3A_204 = tpu.memref_squeeze %swap3A_203 : memref<1x128x128xf32, #tpu.memory_space<vmem>> -> memref<128x128xf32, #tpu.memory_space<vmem>>
          %swap3A_205 = arith.index_cast %scan3A_200 : i32 to index
          %swap3A_206 = arith.constant 0 : index
          %swap3A_207 = tpu.vector_load %swap3A_204[%swap3A_205, %swap3A_206] {strides = array<i32>} : memref<128x128xf32, #tpu.memory_space<vmem>>, vector<1x16xf32>,
          %swap3A_208 = vector.shape_cast %swap3A_207 : vector<1x16xf32> to vector<16xf32>
          %swap3A_209 = vector.shape_cast %broadcast_in_dim3A_9 : vector<16xf32> to vector<1x16xf32>
          tpu.vector_store %swap3A_204[%swap3A_205, %swap3A_206], %swap3A_209 {strides = array<i32>} : memref<128x128xf32, #tpu.memory_space<vmem>>, vector<1x16xf32>,
          %swap3A_210 = arith.constant 0 : i32
          %swap3A_211 = arith.constant 0 : i32
          %swap3A_212 = tpu.memref_slice %arg6[%select_n3A_133, %swap3A_210, %swap3A_211] : memref<3x128x128xf32, #tpu.memory_space<vmem>> -> memref<1x128x128xf32, #tpu.memory_space<vmem>>
          %swap3A_213 = tpu.memref_squeeze %swap3A_212 : memref<1x128x128xf32, #tpu.memory_space<vmem>> -> memref<128x128xf32, #tpu.memory_space<vmem>>
          %swap3A_214 = arith.index_cast %scan3A_200 : i32 to index
          %swap3A_215 = arith.constant 16 : index
          %swap3A_216 = tpu.vector_load %swap3A_213[%swap3A_214, %swap3A_215] {strides = array<i32>} : memref<128x128xf32, #tpu.memory_space<vmem>>, vector<1x16xf32>,
          %swap3A_217 = vector.shape_cast %swap3A_216 : vector<1x16xf32> to vector<16xf32>
          %swap3A_218 = vector.shape_cast %broadcast_in_dim3A_9 : vector<16xf32> to vector<1x16xf32>
          tpu.vector_store %swap3A_213[%swap3A_214, %swap3A_215], %swap3A_218 {strides = array<i32>} : memref<128x128xf32, #tpu.memory_space<vmem>>, vector<1x16xf32>,
          %swap3A_219 = arith.constant 0 : i32
          %swap3A_220 = arith.constant 0 : i32
          %swap3A_221 = tpu.memref_slice %arg6[%select_n3A_133, %swap3A_219, %swap3A_220] : memref<3x128x128xf32, #tpu.memory_space<vmem>> -> memref<1x128x128xf32, #tpu.memory_space<vmem>>
          %swap3A_222 = tpu.memref_squeeze %swap3A_221 : memref<1x128x128xf32, #tpu.memory_space<vmem>> -> memref<128x128xf32, #tpu.memory_space<vmem>>
          %swap3A_223 = arith.index_cast %scan3A_200 : i32 to index
          %swap3A_224 = arith.constant 32 : index
          %swap3A_225 = tpu.vector_load %swap3A_222[%swap3A_223, %swap3A_224] {strides = array<i32>} : memref<128x128xf32, #tpu.memory_space<vmem>>, vector<1x16xf32>,
          %swap3A_226 = vector.shape_cast %swap3A_225 : vector<1x16xf32> to vector<16xf32>
          %swap3A_227 = vector.shape_cast %broadcast_in_dim3A_9 : vector<16xf32> to vector<1x16xf32>
          tpu.vector_store %swap3A_222[%swap3A_223, %swap3A_224], %swap3A_227 {strides = array<i32>} : memref<128x128xf32, #tpu.memory_space<vmem>>, vector<1x16xf32>,
          %swap3A_228 = arith.constant 0 : i32
          %swap3A_229 = arith.constant 0 : i32
          %swap3A_230 = tpu.memref_slice %arg6[%select_n3A_133, %swap3A_228, %swap3A_229] : memref<3x128x128xf32, #tpu.memory_space<vmem>> -> memref<1x128x128xf32, #tpu.memory_space<vmem>>
          %swap3A_231 = tpu.memref_squeeze %swap3A_230 : memref<1x128x128xf32, #tpu.memory_space<vmem>> -> memref<128x128xf32, #tpu.memory_space<vmem>>
          %swap3A_232 = arith.index_cast %scan3A_200 : i32 to index
          %swap3A_233 = arith.constant 48 : index
          %swap3A_234 = tpu.vector_load %swap3A_231[%swap3A_232, %swap3A_233] {strides = array<i32>} : memref<128x128xf32, #tpu.memory_space<vmem>>, vector<1x16xf32>,
          %swap3A_235 = vector.shape_cast %swap3A_234 : vector<1x16xf32> to vector<16xf32>
          %swap3A_236 = vector.shape_cast %broadcast_in_dim3A_9 : vector<16xf32> to vector<1x16xf32>
          tpu.vector_store %swap3A_231[%swap3A_232, %swap3A_233], %swap3A_236 {strides = array<i32>} : memref<128x128xf32, #tpu.memory_space<vmem>>, vector<1x16xf32>,
          %swap3A_237 = arith.constant 0 : i32
          %swap3A_238 = arith.constant 0 : i32
          %swap3A_239 = tpu.memref_slice %arg6[%select_n3A_133, %swap3A_237, %swap3A_238] : memref<3x128x128xf32, #tpu.memory_space<vmem>> -> memref<1x128x128xf32, #tpu.memory_space<vmem>>
          %swap3A_240 = tpu.memref_squeeze %swap3A_239 : memref<1x128x128xf32, #tpu.memory_space<vmem>> -> memref<128x128xf32, #tpu.memory_space<vmem>>
          %swap3A_241 = arith.index_cast %scan3A_200 : i32 to index
          %swap3A_242 = arith.constant 64 : index
          %swap3A_243 = tpu.vector_load %swap3A_240[%swap3A_241, %swap3A_242] {strides = array<i32>} : memref<128x128xf32, #tpu.memory_space<vmem>>, vector<1x16xf32>,
          %swap3A_244 = vector.shape_cast %swap3A_243 : vector<1x16xf32> to vector<16xf32>
          %swap3A_245 = vector.shape_cast %broadcast_in_dim3A_9 : vector<16xf32> to vector<1x16xf32>
          tpu.vector_store %swap3A_240[%swap3A_241, %swap3A_242], %swap3A_245 {strides = array<i32>} : memref<128x128xf32, #tpu.memory_space<vmem>>, vector<1x16xf32>,
          %swap3A_246 = arith.constant 0 : i32
          %swap3A_247 = arith.constant 0 : i32
          %swap3A_248 = tpu.memref_slice %arg6[%select_n3A_133, %swap3A_246, %swap3A_247] : memref<3x128x128xf32, #tpu.memory_space<vmem>> -> memref<1x128x128xf32, #tpu.memory_space<vmem>>
          %swap3A_249 = tpu.memref_squeeze %swap3A_248 : memref<1x128x128xf32, #tpu.memory_space<vmem>> -> memref<128x128xf32, #tpu.memory_space<vmem>>
          %swap3A_250 = arith.index_cast %scan3A_200 : i32 to index
          %swap3A_251 = arith.constant 80 : index
          %swap3A_252 = tpu.vector_load %swap3A_249[%swap3A_250, %swap3A_251] {strides = array<i32>} : memref<128x128xf32, #tpu.memory_space<vmem>>, vector<1x16xf32>,
          %swap3A_253 = vector.shape_cast %swap3A_252 : vector<1x16xf32> to vector<16xf32>
          %swap3A_254 = vector.shape_cast %broadcast_in_dim3A_9 : vector<16xf32> to vector<1x16xf32>
          tpu.vector_store %swap3A_249[%swap3A_250, %swap3A_251], %swap3A_254 {strides = array<i32>} : memref<128x128xf32, #tpu.memory_space<vmem>>, vector<1x16xf32>,
          %swap3A_255 = arith.constant 0 : i32
          %swap3A_256 = arith.constant 0 : i32
          %swap3A_257 = tpu.memref_slice %arg6[%select_n3A_133, %swap3A_255, %swap3A_256] : memref<3x128x128xf32, #tpu.memory_space<vmem>> -> memref<1x128x128xf32, #tpu.memory_space<vmem>>
          %swap3A_258 = tpu.memref_squeeze %swap3A_257 : memref<1x128x128xf32, #tpu.memory_space<vmem>> -> memref<128x128xf32, #tpu.memory_space<vmem>>
          %swap3A_259 = arith.index_cast %scan3A_200 : i32 to index
          %swap3A_260 = arith.constant 96 : index
          %swap3A_261 = tpu.vector_load %swap3A_258[%swap3A_259, %swap3A_260] {strides = array<i32>} : memref<128x128xf32, #tpu.memory_space<vmem>>, vector<1x16xf32>,
          %swap3A_262 = vector.shape_cast %swap3A_261 : vector<1x16xf32> to vector<16xf32>
          %swap3A_263 = vector.shape_cast %broadcast_in_dim3A_9 : vector<16xf32> to vector<1x16xf32>
          tpu.vector_store %swap3A_258[%swap3A_259, %swap3A_260], %swap3A_263 {strides = array<i32>} : memref<128x128xf32, #tpu.memory_space<vmem>>, vector<1x16xf32>,
          %swap3A_264 = arith.constant 0 : i32
          %swap3A_265 = arith.constant 0 : i32
          %swap3A_266 = tpu.memref_slice %arg6[%select_n3A_133, %swap3A_264, %swap3A_265] : memref<3x128x128xf32, #tpu.memory_space<vmem>> -> memref<1x128x128xf32, #tpu.memory_space<vmem>>
          %swap3A_267 = tpu.memref_squeeze %swap3A_266 : memref<1x128x128xf32, #tpu.memory_space<vmem>> -> memref<128x128xf32, #tpu.memory_space<vmem>>
          %swap3A_268 = arith.index_cast %scan3A_200 : i32 to index
          %swap3A_269 = arith.constant 112 : index
          %swap3A_270 = tpu.vector_load %swap3A_267[%swap3A_268, %swap3A_269] {strides = array<i32>} : memref<128x128xf32, #tpu.memory_space<vmem>>, vector<1x16xf32>,
          %swap3A_271 = vector.shape_cast %swap3A_270 : vector<1x16xf32> to vector<16xf32>
          %swap3A_272 = vector.shape_cast %broadcast_in_dim3A_9 : vector<16xf32> to vector<1x16xf32>
          tpu.vector_store %swap3A_267[%swap3A_268, %swap3A_269], %swap3A_272 {strides = array<i32>} : memref<128x128xf32, #tpu.memory_space<vmem>>, vector<1x16xf32>,
          %scan3A_273 = arith.constant 0 : i32
          scf.yield %scan3A_273 : i32
        }
        %scan3A_190 = arith.constant 128 : i32
        %add3A_191 = arith.constant 3 : i32
        %add3A_192 = arith.addi %scan3A_121, %add3A_191 : i32
        %scan3A_193 = arith.constant 0 : i32
        %scan3A_194 = arith.constant 0 : i32
        %scan3A_195 = arith.constant 10 : i32
        %scan3A_196 = arith.addi %scan3A_194, %scan3A_195 : i32
        %scan3A_197 = arith.constant 1 : i32
        %scan3A_198 = scf.for %scan3A_200 = %scan3A_194 to %scan3A_196 step %scan3A_197 iter_args(%scan3A_201 = %scan3A_193) -> (i32)  : i32 {
          %dma_start3A_202 = arith.constant 0 : i32
          %dma_start3A_203 = arith.constant 0 : i32
          %dma_start3A_204 = tpu.memref_slice %arg6[%select_n3A_133, %dma_start3A_202, %dma_start3A_203] : memref<3x128x128xf32, #tpu.memory_space<vmem>> -> memref<1x128x128xf32, #tpu.memory_space<vmem>>
          %dma_start3A_205 = tpu.memref_squeeze %dma_start3A_204 : memref<1x128x128xf32, #tpu.memory_space<vmem>> -> memref<128x128xf32, #tpu.memory_space<vmem>>
          %dma_start3A_206 = arith.constant 0 : i32
          %dma_start3A_207 = tpu.memref_slice %arg5[%scan3A_200, %add3A_192, %dma_start3A_206] : memref<10x4x128xi32, #tpu.memory_space<vmem>> -> memref<1x1x128xi32, #tpu.memory_space<vmem>>
          %dma_start3A_208 = tpu.memref_squeeze %dma_start3A_207 : memref<1x1x128xi32, #tpu.memory_space<vmem>> -> memref<128xi32, #tpu.memory_space<vmem>>
          %dma_start3A_209 = arith.constant 0 : i32
          %dma_start3A_210 = arith.constant 0 : i32
          %dma_start3A_211 = tpu.memref_slice %arg7[%dma_start3A_209, %dma_start3A_210] : memref<5000x128xf32, #tpu.memory_space<vmem_shared>> -> memref<5000x128xf32, #tpu.memory_space<vmem_shared>>
          %dma_start3A_212 = tpu.memref_slice %arg10[%select_n3A_133] : memref<3x!tpu.dma_semaphore, #tpu.memory_space<semaphore_mem>> -> memref<1x!tpu.dma_semaphore, #tpu.memory_space<semaphore_mem>>
          %dma_start3A_213 = tpu.memref_squeeze %dma_start3A_212 : memref<1x!tpu.dma_semaphore, #tpu.memory_space<semaphore_mem>> -> memref<!tpu.dma_semaphore, #tpu.memory_space<semaphore_mem>>
          tpu.enqueue_indirect_dma source(%dma_start3A_211 : memref<5000x128xf32, #tpu.memory_space<vmem_shared>>) target(%dma_start3A_205 : memref<128x128xf32, #tpu.memory_space<vmem>>) offsets(%dma_start3A_208 : memref<128xi32, #tpu.memory_space<vmem>>) semaphore(%dma_start3A_213 : memref<!tpu.dma_semaphore, #tpu.memory_space<semaphore_mem>>) {add = true}
          %scan3A_214 = arith.constant 0 : i32
          scf.yield %scan3A_214 : i32
        }
        %scan3A_199 = arith.constant 10 : i32
      } else {
      }
      %scan3A_166 = arith.constant 0 : i32
      scf.yield %scan3A_166 : i32
    }
    %scan3A_67 = arith.constant 4 : i32
    %add3A_68 = arith.constant 128 : i32
    %add3A_69 = arith.addi %mul3A_2, %add3A_68 : i32
    %dma_wait3A = arith.constant 1 : i32
    %dma_wait3A_70 = arith.constant 1 : i32
    %dma_wait3A_71 = arith.constant 0 : i32
    %dma_wait3A_72 = arith.constant 0 : i32
    %dma_wait3A_73 = tpu.memref_slice %arg6[%dma_wait3A, %dma_wait3A_71, %dma_wait3A_72] : memref<3x128x128xf32, #tpu.memory_space<vmem>> -> memref<1x128x128xf32, #tpu.memory_space<vmem>>
    %dma_wait3A_74 = tpu.memref_squeeze %dma_wait3A_73 : memref<1x128x128xf32, #tpu.memory_space<vmem>> -> memref<128x128xf32, #tpu.memory_space<vmem>>
    %dma_wait3A_75 = arith.constant 0 : i32
    %dma_wait3A_76 = tpu.memref_slice %arg4[%add3A_69, %dma_wait3A_75] : memref<16384x128xf32, #tpu.memory_space<hbm>> -> memref<128x128xf32, #tpu.memory_space<hbm>>
    %dma_wait3A_77 = tpu.memref_slice %arg11[%dma_wait3A_70] : memref<3x!tpu.dma_semaphore, #tpu.memory_space<semaphore_mem>> -> memref<1x!tpu.dma_semaphore, #tpu.memory_space<semaphore_mem>>
    %dma_wait3A_78 = tpu.memref_squeeze %dma_wait3A_77 : memref<1x!tpu.dma_semaphore, #tpu.memory_space<semaphore_mem>> -> memref<!tpu.dma_semaphore, #tpu.memory_space<semaphore_mem>>
    %dma_wait3A_79 = arith.constant 0 : i32
    %dma_wait3A_80 = tpu.memref_slice %arg4[%add3A_69, %dma_wait3A_79] : memref<16384x128xf32, #tpu.memory_space<hbm>> -> memref<128x128xf32, #tpu.memory_space<hbm>>
    %dma_wait3A_81 = arith.constant 0 : i32
    %dma_wait3A_82 = arith.constant 0 : i32
    %dma_wait3A_83 = tpu.memref_slice %arg6[%dma_wait3A, %dma_wait3A_81, %dma_wait3A_82] : memref<3x128x128xf32, #tpu.memory_space<vmem>> -> memref<1x128x128xf32, #tpu.memory_space<vmem>>
    %dma_wait3A_84 = tpu.memref_squeeze %dma_wait3A_83 : memref<1x128x128xf32, #tpu.memory_space<vmem>> -> memref<128x128xf32, #tpu.memory_space<vmem>>
    tpu.wait_dma2 semaphore(%dma_wait3A_78 : memref<!tpu.dma_semaphore, #tpu.memory_space<semaphore_mem>>) src(%dma_wait3A_84 : memref<128x128xf32, #tpu.memory_space<vmem>>) dst(%dma_wait3A_80 : memref<128x128xf32, #tpu.memory_space<hbm>>)
    %add3A_85 = arith.constant 256 : i32
    %add3A_86 = arith.addi %mul3A_2, %add3A_85 : i32
    %dma_wait3A_87 = arith.constant 2 : i32
    %dma_wait3A_88 = arith.constant 2 : i32
    %dma_wait3A_89 = arith.constant 0 : i32
    %dma_wait3A_90 = arith.constant 0 : i32
    %dma_wait3A_91 = tpu.memref_slice %arg6[%dma_wait3A_87, %dma_wait3A_89, %dma_wait3A_90] : memref<3x128x128xf32, #tpu.memory_space<vmem>> -> memref<1x128x128xf32, #tpu.memory_space<vmem>>
    %dma_wait3A_92 = tpu.memref_squeeze %dma_wait3A_91 : memref<1x128x128xf32, #tpu.memory_space<vmem>> -> memref<128x128xf32, #tpu.memory_space<vmem>>
    %dma_wait3A_93 = arith.constant 0 : i32
    %dma_wait3A_94 = tpu.memref_slice %arg4[%add3A_86, %dma_wait3A_93] : memref<16384x128xf32, #tpu.memory_space<hbm>> -> memref<128x128xf32, #tpu.memory_space<hbm>>
    %dma_wait3A_95 = tpu.memref_slice %arg11[%dma_wait3A_88] : memref<3x!tpu.dma_semaphore, #tpu.memory_space<semaphore_mem>> -> memref<1x!tpu.dma_semaphore, #tpu.memory_space<semaphore_mem>>
    %dma_wait3A_96 = tpu.memref_squeeze %dma_wait3A_95 : memref<1x!tpu.dma_semaphore, #tpu.memory_space<semaphore_mem>> -> memref<!tpu.dma_semaphore, #tpu.memory_space<semaphore_mem>>
    %dma_wait3A_97 = arith.constant 0 : i32
    %dma_wait3A_98 = tpu.memref_slice %arg4[%add3A_86, %dma_wait3A_97] : memref<16384x128xf32, #tpu.memory_space<hbm>> -> memref<128x128xf32, #tpu.memory_space<hbm>>
    %dma_wait3A_99 = arith.constant 0 : i32
    %dma_wait3A_100 = arith.constant 0 : i32
    %dma_wait3A_101 = tpu.memref_slice %arg6[%dma_wait3A_87, %dma_wait3A_99, %dma_wait3A_100] : memref<3x128x128xf32, #tpu.memory_space<vmem>> -> memref<1x128x128xf32, #tpu.memory_space<vmem>>
    %dma_wait3A_102 = tpu.memref_squeeze %dma_wait3A_101 : memref<1x128x128xf32, #tpu.memory_space<vmem>> -> memref<128x128xf32, #tpu.memory_space<vmem>>
    tpu.wait_dma2 semaphore(%dma_wait3A_96 : memref<!tpu.dma_semaphore, #tpu.memory_space<semaphore_mem>>) src(%dma_wait3A_102 : memref<128x128xf32, #tpu.memory_space<vmem>>) dst(%dma_wait3A_98 : memref<128x128xf32, #tpu.memory_space<hbm>>)
    %add3A_103 = arith.constant 384 : i32
    %add3A_104 = arith.addi %mul3A_2, %add3A_103 : i32
    %dma_wait3A_105 = arith.constant 0 : i32
    %dma_wait3A_106 = arith.constant 0 : i32
    %dma_wait3A_107 = arith.constant 0 : i32
    %dma_wait3A_108 = arith.constant 0 : i32
    %dma_wait3A_109 = tpu.memref_slice %arg6[%dma_wait3A_105, %dma_wait3A_107, %dma_wait3A_108] : memref<3x128x128xf32, #tpu.memory_space<vmem>> -> memref<1x128x128xf32, #tpu.memory_space<vmem>>
    %dma_wait3A_110 = tpu.memref_squeeze %dma_wait3A_109 : memref<1x128x128xf32, #tpu.memory_space<vmem>> -> memref<128x128xf32, #tpu.memory_space<vmem>>
    %dma_wait3A_111 = arith.constant 0 : i32
    %dma_wait3A_112 = tpu.memref_slice %arg4[%add3A_104, %dma_wait3A_111] : memref<16384x128xf32, #tpu.memory_space<hbm>> -> memref<128x128xf32, #tpu.memory_space<hbm>>
    %dma_wait3A_113 = tpu.memref_slice %arg11[%dma_wait3A_106] : memref<3x!tpu.dma_semaphore, #tpu.memory_space<semaphore_mem>> -> memref<1x!tpu.dma_semaphore, #tpu.memory_space<semaphore_mem>>
    %dma_wait3A_114 = tpu.memref_squeeze %dma_wait3A_113 : memref<1x!tpu.dma_semaphore, #tpu.memory_space<semaphore_mem>> -> memref<!tpu.dma_semaphore, #tpu.memory_space<semaphore_mem>>
    %dma_wait3A_115 = arith.constant 0 : i32
    %dma_wait3A_116 = tpu.memref_slice %arg4[%add3A_104, %dma_wait3A_115] : memref<16384x128xf32, #tpu.memory_space<hbm>> -> memref<128x128xf32, #tpu.memory_space<hbm>>
    %dma_wait3A_117 = arith.constant 0 : i32
    %dma_wait3A_118 = arith.constant 0 : i32
    %dma_wait3A_119 = tpu.memref_slice %arg6[%dma_wait3A_105, %dma_wait3A_117, %dma_wait3A_118] : memref<3x128x128xf32, #tpu.memory_space<vmem>> -> memref<1x128x128xf32, #tpu.memory_space<vmem>>
    %dma_wait3A_120 = tpu.memref_squeeze %dma_wait3A_119 : memref<1x128x128xf32, #tpu.memory_space<vmem>> -> memref<128x128xf32, #tpu.memory_space<vmem>>
    tpu.wait_dma2 semaphore(%dma_wait3A_114 : memref<!tpu.dma_semaphore, #tpu.memory_space<semaphore_mem>>) src(%dma_wait3A_120 : memref<128x128xf32, #tpu.memory_space<vmem>>) dst(%dma_wait3A_116 : memref<128x128xf32, #tpu.memory_space<hbm>>)
    return
  }
}

</mosaic_0001>

<sc_bundles>
// kernel: kernel.3.cloned.1.call-start
scs
__scs_entry_jumppad:
0x0: {  	(pc) =	sbr.rel $0x88, $3  }
0x1: {  	(tag) =	ssettag $0x0;
	lr =	simm.s32 $0x1  }
0x2: {  	[smem:$0x3F9F] =	sst lr;
	_ =	strace $0xD0000000  }
0x3: {  	_ = 	snop  }
0x4: {  	_ = 	snop  }
0x5: {  	_ = 	snop  }
0x6: {  	_ = 	snop  }
0x7: {  	_ = 	snop  }
__scs_overlays_trampoline_lowered:
0x8: {  	[smem:$0x3FAE] =	sst s0  }
0x9: {  	[smem:$0x3FAF] =	sst s1  }
0xa: {  	[smem:$0x3FB0] =	sst s2  }
0xb: {  	[smem:$0x3FB1] =	sst s3  }
0xc: {  	[smem:$0x3FB2] =	sst s4  }
0xd: {  	[smem:$0x3FB3] =	sst s5  }
0xe: {  	[smem:$0x3FB4] =	sst s6  }
0xf: {  	[smem:$0x3FB5] =	sst s7  }
0x10: {  	[smem:$0x3FB6] =	sst s8  }
0x11: {  	[smem:$0x3FB7] =	sst s9;
	s0 =	simm.s32 @!p0 $0x0  }
0x12: {  	s1 =	sld [smem:$0x3F9D];
	s0 =	simm.s32 @p0 $0x1  }
0x13: {  	[smem:$0x3FB8] =	sst s0;
	s0 =	simm.s32 @!p1 $0x0  }
0x14: {  	s2 =	sld [smem:$0x3F9C];
	s0 =	simm.s32 @p1 $0x1  }
0x15: {  	[smem:$0x3FB9] =	sst s0;
	s0 =	simm.s32 @!p2 $0x0  }
0x16: {  	s3 =	sld [smem:$0x3FDB];
	s0 =	simm.s32 @p2 $0x1  }
0x17: {  	s4 =	simm.s32 $0x1BF5;
	[smem:$0x3FBB] =	sst s0  }
0x18: {  	s0 =	sld [smem:$0x3F9E];
	_ =	swait.ge [sflag:s4], $0x0  }
0x19: {  	s7 =	sld [smem:$0x3F9F]  }
0x1a: {  	s8 =	sadd.s32 $0xFFFFE003, lr  }
0x1b: {  	s9 =	sadd.s32 $0xFFFFFEF7, lr;
	s5 =	simm.s32 $0xFFFFFFFF;
	p2 =	slt.u32 s8, $0xFFFFF086  }
0x1c: {  	p1 =	slt.u32 s9, $0xF7A;
	s5 =	simm.s32 @!p2 $0x0  }
0x1d: {  	s5 =	simm.s32 @p1 $0x1;
	p0 =	seq.s32 s7, s2  }
0x1e: {  	s7 =	smul.u32 @!p0 $0xF7A, s2;
	p2 =	seq.s32 @!p0 s5, $0x0  }
0x1f: {  	s9 =	smul.u32 $0xF7A, s1;
	s8 =	simm.s32 @!p0 $0x1BF5;
	p2 =	por !p2, p0  }
0x20: {  	[sflag:s8] =	ssyncset.s32 @!p0 $0xFFFFF086;
	s6 =	sadd.s32 @!p0 s3, s7;
	s7 =	simm.s32 @!p0 $0x108  }
0x21: {  	s3 =	sadd.s32 s3, s9;
	s6 =	sadd.s32 @!p0 $0x88, s6;
	s7 =	simm.s32 @p2 $0x1082  }
0x22: {  	[simem:s7], [sflag:s8] =	dma.local @!p0 [hbm:s6], $0xF7A  }
0x23: {  	s9 =	sor.u32 $0xD0000000, s2;
	s6 =	simm.s32 $0x108;
	_ =	swait.ge @!p0 [sflag:s8], $0x0  }
0x24: {  	s3 =	sadd.s32 $0x88, s3;
	s6 =	simm.s32 @!p1 $0x1082;
	[sflag:s4] =	ssyncset.s32 $0xFFFFF086  }
0x25: {  	[simem:s6], [sflag:s4] =	dma.local [hbm:s3], $0xF7A  }
0x26: {  	[smem:$0x3F9F] =	sst s1;
	(tag) =	ssettag s2;
	_ =	strace s9  }
0x27: {  	s1 =	sld [smem:$0x3FAF]  }
0x28: {  	s2 =	sld [smem:$0x3FB0]  }
0x29: {  	s4 =	sld [smem:$0x3FB2]  }
0x2a: {  	p0 =	seq.s32 s5, $0x0;
	s5 =	sld [smem:$0x3FB3]  }
0x2b: {  	s6 =	sld [smem:$0x3FB4]  }
0x2c: {  	s7 =	sld [smem:$0x3FB5]  }
0x2d: {  	s3 =	simm.s32 $0x108;
	s8 =	sld [smem:$0x3FB6]  }
0x2e: {  	s3 =	simm.s32 @!p0 $0x1082;
	s9 =	sld [smem:$0x3FB7]  }
0x2f: {  	lr =	sadd.s32 s0, s3;
	s0 =	sld [smem:$0x3FAE]  }
0x30: {  	s3 =	sld [smem:$0x3FB1]  }
0x31: {  	[smem:$0x3FBA] =	sst s10  }
0x32: {  	s10 =	sld [smem:$0x3FB8];
	_ =	sdelay $0x3  }
0x33: {  	p0 =	seq.s32 s10, $0x1;
	s10 =	sld [smem:$0x3FBA];
	_ =	sdelay $0x3  }
0x34: {  	[smem:$0x3FBA] =	sst s10  }
0x35: {  	s10 =	sld [smem:$0x3FB9];
	_ =	sdelay $0x3  }
0x36: {  	p1 =	seq.s32 s10, $0x1;
	s10 =	sld [smem:$0x3FBA];
	_ =	sdelay $0x3  }
0x37: {  	[smem:$0x3FBA] =	sst s10  }
0x38: {  	s10 =	sld [smem:$0x3FBB]  }
0x39: {  	_ = 	snop;
	(pc) =	sbr.ind lr, $3  }
0x3a: {  	_ = 	snop  }
0x3b: {  	_ = 	snop  }
0x3c: {  	p2 =	seq.s32 s10, $0x1;
	s10 =	sld [smem:$0x3FBA]  }
0x3d: {  	_ =	shalt  }
0x3e: {  	_ =	shalt  }
0x3f: {  	_ =	shalt  }
0x40: {  	_ =	shalt  }
0x41: {  	_ =	shalt  }
0x42: {  	_ =	shalt  }
0x43: {  	_ =	shalt  }
0x44: {  	_ =	shalt  }
0x45: {  	_ =	shalt  }
0x46: {  	_ =	shalt  }
0x47: {  	_ =	shalt  }
0x48: {  	_ =	shalt  }
0x49: {  	_ =	shalt  }
0x4a: {  	_ =	shalt  }
0x4b: {  	_ =	shalt  }
0x4c: {  	_ =	shalt  }
0x4d: {  	_ =	shalt  }
0x4e: {  	_ =	shalt  }
0x4f: {  	_ =	shalt  }
0x50: {  	_ =	shalt  }
0x51: {  	_ =	shalt  }
0x52: {  	_ =	shalt  }
0x53: {  	_ =	shalt  }
0x54: {  	_ =	shalt  }
0x55: {  	_ =	shalt  }
0x56: {  	_ =	shalt  }
0x57: {  	_ =	shalt  }
0x58: {  	_ =	shalt  }
0x59: {  	_ =	shalt  }
0x5a: {  	_ =	shalt  }
0x5b: {  	_ =	shalt  }
0x5c: {  	_ =	shalt  }
0x5d: {  	_ =	shalt  }
0x5e: {  	_ =	shalt  }
0x5f: {  	_ =	shalt  }
0x60: {  	_ =	shalt  }
0x61: {  	_ =	shalt  }
0x62: {  	_ =	shalt  }
0x63: {  	_ =	shalt  }
0x64: {  	_ =	shalt  }
0x65: {  	_ =	shalt  }
0x66: {  	_ =	shalt  }
0x67: {  	_ =	shalt  }
0x68: {  	_ =	shalt  }
0x69: {  	_ =	shalt  }
0x6a: {  	_ =	shalt  }
0x6b: {  	_ =	shalt  }
0x6c: {  	_ =	shalt  }
0x6d: {  	_ =	shalt  }
0x6e: {  	_ =	shalt  }
0x6f: {  	_ =	shalt  }
0x70: {  	_ =	shalt  }
0x71: {  	_ =	shalt  }
0x72: {  	_ =	shalt  }
0x73: {  	_ =	shalt  }
0x74: {  	_ =	shalt  }
0x75: {  	_ =	shalt  }
0x76: {  	_ =	shalt  }
0x77: {  	_ =	shalt  }
0x78: {  	_ =	shalt  }
0x79: {  	_ =	shalt  }
0x7a: {  	_ =	shalt  }
0x7b: {  	_ =	shalt  }
0x7c: {  	_ =	shalt  }
0x7d: {  	_ =	shalt  }
0x7e: {  	_ =	shalt  }
0x7f: {  	_ =	shalt  }
0x80: {  	_ =	shalt  }
0x81: {  	_ =	shalt  }
0x82: {  	_ =	shalt  }
0x83: {  	_ =	shalt  }
0x84: {  	_ =	shalt  }
0x85: {  	_ =	shalt  }
0x86: {  	_ =	shalt  }
0x87: {  	_ =	shalt  }
.Lfunc_end0:
.L_simem_size_0:
called_computation_lowered:
.L_overlay_start_0:
0x88: {  	s2 =	sld [smem:$0x3FD9]  }
0x89: {  	s3 =	sld [smem:$0x3FFE];
	_ =	sdelay $0x1  }
0x8a: {  	s1 =	srdreg.scid  }
0x8b: {  	s0 =	sand.u32 $0x1, s1  }
0x8c: {  	s17 =	sshll.u32 s0, $0xA;
	s2 =	sadd.s32 s3, s2  }
0x8d: {  	s2 =	sadd.s32 s2, s17  }
0x8e: {  	[smem:$0x3FC6] =	sst s2  }
0x8f: {  	_ = 	snop  }
0x90: {  	s2 =	sld [smem:$0x3FD0];
	(tm) =	ssettm $0x1  }
0x91: {  	s18 =	sld [smem:$0x3FFB];
	_ =	sdelay $0x3  }
0x92: {  	_ =	strace s18  }
0x93: {  	s3 =	sld [smem:$0x3FFC];
	_ =	sdelay $0x3  }
0x94: {  	_ =	strace s3  }
0x95: {  	s3 =	sld [smem:$0x3FFD];
	_ =	sdelay $0x3  }
0x96: {  	_ =	strace s3  }
0x97: {  	_ =	strace $0x8FFFFFFF  }
0x98: {  	s19 =	sld [smem:$0x3FDB];
	_ =	sdelay $0x1  }
0x99: {  	s4 =	simm.s32 $_scs_section_size  }
0x9a: {  	s5 =	simm.s32 $_size__tile_overlayer_lowered;
	s6 =	simm.s32 $_tile_overlayer_lowered  }
0x9b: {  	s22 =	simm.s32 $0x1BFF;
	s21 =	sshll.u32 s6, $0x1;
	s3 =	sadd.s32 s4, s19  }
0x9c: {  	s7 =	simm.s32 $0x0;
	s20 =	sshll.u32 s5, $0x1;
	s5 =	sadd.s32 s21, s3  }
0x9d: {  	[timem:s7], [sflag:s22] =	dma.local [hbm:s5], s20  }
0x9e: {  	_ =	swait.ge [sflag:s22], s20  }
0x9f: {  	s4 =	ssub.s32 $0x0, s20;
	[sflag:s22] =	ssyncset.done $0x0  }
0xa0: {  	[sflag:s22] =	ssyncadd.s32 s4;
	_ =	sdelay $0x1  }
0xa1: {  	s23 =	simm.s32 $0x1B8B  }
0xa2: {  	_ =	swait.ge [sflag:s23], $0x1  }
0xa3: {  	[sflag:s23] =	ssyncset.done $0x0  }
0xa4: {  	s25 =	simm.s32 $0x1B8E;
	s24 =	sld [smem:$0x3FFE];
	[sflag:s23] =	ssyncadd.s32 $0xFFFFFFFF  }
0xa5: {  	s26 =	simm.s32 $execute0_lowered;
	[smem:$0x3FD2] =	sst s25  }
0xa6: {  	s5 =	sshll.u32 s26, $0x1;
	_ =	strace $0x80000046;
	[dreg:$0x1] =	wrdreg $0xFFFFFFFF  }
0xa7: {  	s28 =	simm.s32 $_size_execute0_lowered;
	s3 =	sadd.s32 s3, s5;
	[dreg:$0x0] =	wrdreg $0x0  }
0xa8: {  	s5 =	sshll.u32 s28, $0x1;
	[dreg:$0x2] =	wrdreg s3  }
0xa9: {  	[dreg:$0x3] =	wrdreg s5  }
0xaa: {  	[dreg:$0x4] =	wrdreg $0xC0  }
0xab: {  	_ =	task [dreg:s7], $0x5FFFF  }
0xac: {  	[dreg:$0x1] =	wrdreg $0xFFFFFFFF  }
0xad: {  	[dreg:$0x0] =	wrdreg $0x60  }
0xae: {  	[dreg:$0x2] =	wrdreg s24  }
0xaf: {  	[dreg:$0x3] =	wrdreg s2  }
0xb0: {  	[dreg:$0x4] =	wrdreg $0xD4000  }
0xb1: {  	[dreg:$0x5] =	wrdreg $0x9  }
0xb2: {  	_ =	task.clear_ibuf [dreg:s7], $0x6FFFF;
	_ =	strace $0x90000046  }
0xb3: {  	s29 =	simm.s32 $0x9;
	_ =	strace $0x80000048  }
0xb4: {  	_ =	swait.ge [sflag:s29], $0x1  }
0xb5: {  	[sflag:s29] =	ssyncadd.s32 $0xFFFFFFFF  }
0xb6: {  	_ =	strace $0x90000048  }
0xb7: {  	_ =	sfence  }
0xb8: {  	s30 =	sld [smem:$0x0];
	_ =	sdelay $0x2  }
0xb9: {  	s31 =	sshll.u32 s1, $0xD;
	s1 =	sshrl.u32 s1, $0x2  }
0xba: {  	s3 =	sand.u32 $0x4000, s31;
	s1 =	sadd.s32 s1, s30  }
0xbb: {  	s0 =	sor.u32 s3, s0;
	s1 =	sshll.u32 s1, $0x11  }
0xbc: {  	s0 =	sor.u32 s1, s0  }
0xbd: {  	s0 =	sadd.s32 $0x8F2B, s0  }
0xbe: {  	[sflag:s0] =	ssyncadd.remote.s32 $0x1  }
0xbf: {  	_ =	sfence.sel $0xFFFF  }
0xc0: {  	[dreg:$0x0] =	wrdreg $0xFFFFFFFF;
	(pc) =	sbr.abs _section_cstart, $3  }
0xc1: {  	[dreg:$0x1] =	wrdreg $0xFFFFFFFF  }
0xc2: {  	_ =	task.clear_ibuf [dreg:s7], $0x2FFFF;
	_ =	strace $0x9FFFFFFF  }
0xc3: {  	(tm) =	ssettm $0x7FFFFFFF  }
tec
execute0_lowered:
.L_overlay_start_1:
0x0: {  	(tag) =	ssettag $0x1  }
0x1: {  	s0 =	rddreg [dreg:$0x0]  }
0x2: {  	s1 =	rddreg [dreg:$0x1];
	s3 =	srdreg.scid  }
0x3: {  	s11 =	stileid.u32;
	s2 =	rddreg [dreg:$0x2];
	s13 =	simm.s32 $0x9  }
0x4: {  	s14 =	simm.s32 $0x80;
	s15 =	simm.s32 $0x1400;
	s19 =	simm.s32 $0x9400  }
0x5: {  	s31 =	simm.s32 $0x180;
	s16 =	simm.s32 $0x780;
	s17 =	simm.s32 $0x980  }
0x6: {  	s18 =	simm.s32 $0xB80;
	s20 =	simm.s32 $0xD80;
	s21 =	simm.s32 $0xF80  }
0x7: {  	s22 =	simm.s32 $0x1180;
	s23 =	simm.s32 $0x1380;
	s24 =	simm.s32 $0x7  }
0x8: {  	s28 =	simm.s32 $0x6;
	s29 =	simm.s32 $0x0;
	s4 =	sand.u32 $0x1, s3  }
0x9: {  	s5 =	sshll.u32 s11, $0x1;
	s3 =	simm.s32 $0x0;
	s8 =	smul.u32 $0x27000, s11  }
0xa: {  	s10 =	smul.u32 $0x1380, s11;
	p0 =	seq.s32 s11, $0xF;
	s5 =	sor.u32 s4, s5  }
0xb: {  	[smem:$0x7FF] =	sst s3;
	s7 =	ssub.s32 $0x2, s4;
	s4 =	sadd.s32 $0x5600, s0  }
0xc: {  	s6 =	smul.u32 $0x280, s5;
	_ =	strace $0x80000047;
	s9 =	sshrl.u32 s7, $0x1  }
0xd: {  	s8 =	sshrl.u32 s8, $0x2;
	s5 =	sshll.u32 s5, $0xD;
	s25 =	sadd.s32 s4, s10  }
0xe: {  	s10 =	sadd.s32 $0x92400, s2;
	s7 =	ssub.s32 s7, s9;
	s12 =	sadd.s32 s8, s2  }
0xf: {  	[dreg:$0x4] =	wrdreg s25;
	s8 =	sadd.s32 s1, s5;
	s10 =	sshrl.u32 @p0 s10, $0x3  }
.Ltmp0:
0x10: {  	s6 =	sadd.s32 s6, s0;
	s0 =	sadd.s32 $0x17A80, s0;
	(pc) =	sbr.rel .LBB2_1-.Ltmp0, $4  }
0x11: {  	s25 =	simm.s32 $0x5400;
	s30 =	smax.u32 s7, $0x1;
	[dreg:$0x5] =	wrdreg s0  }
0x12: {  	s1 =	simm.s32 $0x380;
	s26 =	sadd.s32 $0x600, s6;
	[dreg:$0x7] =	wrdreg s30  }
0x13: {  	s12 =	sshrl.u32 @!p0 s12, $0x3;
	s0 =	sshll.u32 @!p0 s11, $0x6;
	[dreg:$0x6] =	wrdreg s26  }
0x14: {  	v0 =	vimm.f32 $0.0e+00;
	s11 =	sor.u32 @!p0 $0x1C01, s0;
	s0 =	simm.s32 $0x580;
	s26 =	simm.s32 $0x8  }
.LBB2_13:
0x15: {  	_ =	swait.ge [sflag:s24], $0x4000  }
0x16: {  	[sflag:s24] =	ssyncset.done $0x0  }
0x17: {  	[sflag:s24] =	ssyncadd.s32 $0xFFFFC000  }
0x18: {  	_ =	swait.ge [sflag:s26], $0x4000  }
0x19: {  	[sflag:s26] =	ssyncset.done $0x0  }
0x1a: {  	[sflag:s26] =	ssyncadd.s32 $0xFFFFC000  }
0x1b: {  	_ =	swait.ge [sflag:s28], $0x4000  }
0x1c: {  	s29 =	sadd.s32 $0x1, s29;
	s5 =	rddreg [dreg:$0x7]  }
0x1d: {  	p1 =	sne.s32 s29, s5  }
.Ltmp1:
0x1e: {  	_ = 	snop;
	(pc) =	sbr.rel @!p1 .LBB2_14-.Ltmp1, $3  }
0x1f: {  	_ =	sdelay $0x1  }
0x20: {  	[sflag:s28] =	ssyncset.done $0x0  }
0x21: {  	[sflag:s28] =	ssyncadd.s32 $0xFFFFC000  }
.LBB2_1:
0x22: {  	s5 =	simm.s32 @p0 $0x1FC1;
	s6 =	rddreg [dreg:$0x5]  }
0x23: {  	[spmem:s10], [sflag:s5] =	dma.local @p0 [hbm:s6], $0x1400  }
0x24: {  	s5 =	rddreg [dreg:$0x4]  }
0x25: {  	[spmem:s12], [sflag:s11] =	dma.local @!p0 [hbm:s5], $0x1380  }
0x26: {  	s5 =	rddreg [dreg:$0x6]  }
0x27: {  	[tilespmem:s3], [sflag:$0x9] =	stream.linear.gather [hbm4b:s5+s3], $0x1400, $0x38;
	[tilespmem:$0x17040] =	vst v63  }
0x28: {  	_ =	swait.ge [sflag:s13], $0x1400  }
0x29: {  	[sflag:s13] =	ssyncset.done $0x0  }
0x2a: {  	s6 =	simm.s32 $0x200;
	s5 =	simm.s32 $0x0;
	[sflag:s13] =	ssyncadd.s32 $0xFFFFEC00  }
.LBB2_2:
0x2b: {  	p1 =	sne.s32 s6, $0xFE00;
	[tilespmem:s5+$0x1470] =	vst v0  }
0x2c: {  	[tilespmem:s5+$0x1400] =	vst v0  }
0x2d: {  	[tilespmem:s5+$0x1410] =	vst v0  }
.Ltmp2:
0x2e: {  	[tilespmem:s5+$0x1420] =	vst v0;
	(pc) =	sbr.rel @p1 .LBB2_2-.Ltmp2, $4  }
0x2f: {  	[tilespmem:s5+$0x1430] =	vst v0  }
0x30: {  	[tilespmem:s5+$0x1440] =	vst v0  }
0x31: {  	[tilespmem:s5+$0x1450] =	vst v0  }
0x32: {  	[tilespmem:s5+$0x1460] =	vst v0;
	s5 =	sshra.s32 s6, $0x2;
	s6 =	sadd.s32 $0x200, s6  }
0x33: {  	[tilespmem:s5+$0x1470] =	vst v0  }
0x34: {  	[tilespmem:s5+$0x1400] =	vst v0  }
0x35: {  	[tilespmem:s5+$0x1410] =	vst v0  }
0x36: {  	[tilespmem:s5+$0x1420] =	vst v0  }
0x37: {  	[tilespmem:s5+$0x1430] =	vst v0  }
0x38: {  	[tilespmem:s5+$0x1440] =	vst v0  }
0x39: {  	[tilespmem:s5+$0x1450] =	vst v0  }
0x3a: {  	[tilespmem:s5+$0x1460] =	vst v0  }
0x3b: {  	[tilespmem:s15], [sflag:$0x2] =	stream.indirect.gather.add.f32 [hbm:s4], $0x80, s3, s14, $0xb8;
	[tilespmem:$0x17040] =	vst v63  }
0x3c: {  	s30 =	simm.s32 $0x200  }
0x3d: {  	[tilespmem:s15], [sflag:$0x2] =	stream.indirect.gather.add.f32 [hbm:s4], $0x80, s30, s14, $0xb8;
	[tilespmem:$0x17040] =	vst v63  }
0x3e: {  	s6 =	simm.s32 $0x400  }
0x3f: {  	[tilespmem:s15], [sflag:$0x2] =	stream.indirect.gather.add.f32 [hbm:s4], $0x80, s6, s14, $0xb8;
	[tilespmem:$0x17040] =	vst v63  }
0x40: {  	s7 =	simm.s32 $0x600  }
0x41: {  	[tilespmem:s15], [sflag:$0x2] =	stream.indirect.gather.add.f32 [hbm:s4], $0x80, s7, s14, $0xb8;
	[tilespmem:$0x17040] =	vst v63  }
0x42: {  	s9 =	simm.s32 $0x800  }
0x43: {  	[tilespmem:s15], [sflag:$0x2] =	stream.indirect.gather.add.f32 [hbm:s4], $0x80, s9, s14, $0xb8;
	[tilespmem:$0x17040] =	vst v63  }
0x44: {  	s30 =	simm.s32 $0xA00  }
0x45: {  	[tilespmem:s15], [sflag:$0x2] =	stream.indirect.gather.add.f32 [hbm:s4], $0x80, s30, s14, $0xb8;
	[tilespmem:$0x17040] =	vst v63  }
0x46: {  	s6 =	simm.s32 $0xC00  }
0x47: {  	[tilespmem:s15], [sflag:$0x2] =	stream.indirect.gather.add.f32 [hbm:s4], $0x80, s6, s14, $0xb8;
	[tilespmem:$0x17040] =	vst v63  }
0x48: {  	s7 =	simm.s32 $0xE00  }
0x49: {  	[tilespmem:s15], [sflag:$0x2] =	stream.indirect.gather.add.f32 [hbm:s4], $0x80, s7, s14, $0xb8;
	[tilespmem:$0x17040] =	vst v63  }
0x4a: {  	s9 =	simm.s32 $0x1000  }
0x4b: {  	[tilespmem:s15], [sflag:$0x2] =	stream.indirect.gather.add.f32 [hbm:s4], $0x80, s9, s14, $0xb8;
	[tilespmem:$0x17040] =	vst v63  }
0x4c: {  	s5 =	simm.s32 @p0 $0x1;
	s30 =	simm.s32 $0x1200  }
0x4d: {  	[tilespmem:s15], [sflag:$0x2] =	stream.indirect.gather.add.f32 [hbm:s4], $0x80, s30, s14, $0xb8;
	[tilespmem:$0x17040] =	vst v63  }
0x4e: {  	_ =	swait.ge @p0 [sflag:s5], $0x1400  }
0x4f: {  	[sflag:s5] =	ssyncset.done @p0 $0x0  }
0x50: {  	[sflag:s5] =	ssyncadd.s32 @p0 $0xFFFFEC00;
	s5 =	simm.s32 @!p0 $0x1  }
0x51: {  	_ =	swait.ge @!p0 [sflag:s5], $0x1380  }
0x52: {  	[sflag:s5] =	ssyncset.done @!p0 $0x0  }
0x53: {  	[sflag:s5] =	ssyncadd.s32 @!p0 $0xFFFFEC80  }
0x54: {  	s6 =	simm.s32 $0x200;
	s5 =	simm.s32 $0x0;
	[bflag:$0x0] =	sbarrier.arrive $0xFFFF  }
.LBB2_4:
0x55: {  	p1 =	sne.s32 s6, $0xFE00;
	[tilespmem:s5+$0x5470] =	vst v0  }
0x56: {  	[tilespmem:s5+$0x5400] =	vst v0  }
0x57: {  	[tilespmem:s5+$0x5410] =	vst v0  }
.Ltmp3:
0x58: {  	[tilespmem:s5+$0x5420] =	vst v0;
	(pc) =	sbr.rel @p1 .LBB2_4-.Ltmp3, $4  }
0x59: {  	[tilespmem:s5+$0x5430] =	vst v0  }
0x5a: {  	[tilespmem:s5+$0x5440] =	vst v0  }
0x5b: {  	[tilespmem:s5+$0x5450] =	vst v0  }
0x5c: {  	[tilespmem:s5+$0x5460] =	vst v0;
	s5 =	sshra.s32 s6, $0x2;
	s6 =	sadd.s32 $0x200, s6  }
0x5d: {  	[tilespmem:s5+$0x5470] =	vst v0  }
0x5e: {  	[tilespmem:s5+$0x5400] =	vst v0  }
0x5f: {  	[tilespmem:s5+$0x5410] =	vst v0  }
0x60: {  	[tilespmem:s5+$0x5420] =	vst v0  }
0x61: {  	[tilespmem:s5+$0x5430] =	vst v0  }
0x62: {  	[tilespmem:s5+$0x5440] =	vst v0  }
0x63: {  	[tilespmem:s5+$0x5450] =	vst v0  }
0x64: {  	[tilespmem:s5+$0x5460] =	vst v0  }
0x65: {  	[tilespmem:s25], [sflag:$0x4] =	stream.indirect.gather.add.f32 [spmem:s2], $0x80, s14, s14, $0xb8;
	[tilespmem:$0x17040] =	vst v63  }
0x66: {  	s30 =	simm.s32 $0x280  }
0x67: {  	[tilespmem:s25], [sflag:$0x4] =	stream.indirect.gather.add.f32 [spmem:s2], $0x80, s30, s14, $0xb8;
	[tilespmem:$0x17040] =	vst v63  }
0x68: {  	s6 =	simm.s32 $0x480  }
0x69: {  	[tilespmem:s25], [sflag:$0x4] =	stream.indirect.gather.add.f32 [spmem:s2], $0x80, s6, s14, $0xb8;
	[tilespmem:$0x17040] =	vst v63  }
0x6a: {  	s7 =	simm.s32 $0x680  }
0x6b: {  	[tilespmem:s25], [sflag:$0x4] =	stream.indirect.gather.add.f32 [spmem:s2], $0x80, s7, s14, $0xb8;
	[tilespmem:$0x17040] =	vst v63  }
0x6c: {  	s9 =	simm.s32 $0x880  }
0x6d: {  	[tilespmem:s25], [sflag:$0x4] =	stream.indirect.gather.add.f32 [spmem:s2], $0x80, s9, s14, $0xb8;
	[tilespmem:$0x17040] =	vst v63  }
0x6e: {  	s30 =	simm.s32 $0xA80  }
0x6f: {  	[tilespmem:s25], [sflag:$0x4] =	stream.indirect.gather.add.f32 [spmem:s2], $0x80, s30, s14, $0xb8;
	[tilespmem:$0x17040] =	vst v63  }
0x70: {  	s6 =	simm.s32 $0xC80  }
0x71: {  	[tilespmem:s25], [sflag:$0x4] =	stream.indirect.gather.add.f32 [spmem:s2], $0x80, s6, s14, $0xb8;
	[tilespmem:$0x17040] =	vst v63  }
0x72: {  	s7 =	simm.s32 $0xE80  }
0x73: {  	[tilespmem:s25], [sflag:$0x4] =	stream.indirect.gather.add.f32 [spmem:s2], $0x80, s7, s14, $0xb8;
	[tilespmem:$0x17040] =	vst v63  }
0x74: {  	s9 =	simm.s32 $0x1080  }
0x75: {  	[tilespmem:s25], [sflag:$0x4] =	stream.indirect.gather.add.f32 [spmem:s2], $0x80, s9, s14, $0xb8;
	[tilespmem:$0x17040] =	vst v63  }
0x76: {  	s5 =	simm.s32 $0x0;
	s30 =	simm.s32 $0x1280;
	s6 =	simm.s32 $0x200  }
0x77: {  	[tilespmem:s25], [sflag:$0x4] =	stream.indirect.gather.add.f32 [spmem:s2], $0x80, s30, s14, $0xb8;
	[tilespmem:$0x17040] =	vst v63  }
.LBB2_6:
0x78: {  	p1 =	sne.s32 s6, $0xFE00;
	[tilespmem:s5+$0x9470] =	vst v0  }
0x79: {  	[tilespmem:s5+$0x9400] =	vst v0  }
0x7a: {  	[tilespmem:s5+$0x9410] =	vst v0  }
.Ltmp4:
0x7b: {  	[tilespmem:s5+$0x9420] =	vst v0;
	(pc) =	sbr.rel @p1 .LBB2_6-.Ltmp4, $4  }
0x7c: {  	[tilespmem:s5+$0x9430] =	vst v0  }
0x7d: {  	[tilespmem:s5+$0x9440] =	vst v0  }
0x7e: {  	[tilespmem:s5+$0x9450] =	vst v0  }
0x7f: {  	[tilespmem:s5+$0x9460] =	vst v0;
	s5 =	sshra.s32 s6, $0x2;
	s6 =	sadd.s32 $0x200, s6  }
0x80: {  	[tilespmem:s5+$0x9470] =	vst v0  }
0x81: {  	[tilespmem:s5+$0x9400] =	vst v0  }
0x82: {  	[tilespmem:s5+$0x9410] =	vst v0  }
0x83: {  	[tilespmem:s5+$0x9420] =	vst v0  }
0x84: {  	[tilespmem:s5+$0x9430] =	vst v0  }
0x85: {  	[tilespmem:s5+$0x9440] =	vst v0  }
0x86: {  	[tilespmem:s5+$0x9450] =	vst v0  }
0x87: {  	[tilespmem:s5+$0x9460] =	vst v0;
	s9 =	simm.s32 $0x100  }
0x88: {  	[tilespmem:s19], [sflag:$0x5] =	stream.indirect.gather.add.f32 [spmem:s2], $0x80, s9, s14, $0xb8;
	[tilespmem:$0x17040] =	vst v63  }
0x89: {  	s6 =	simm.s32 $0x300  }
0x8a: {  	[tilespmem:s19], [sflag:$0x5] =	stream.indirect.gather.add.f32 [spmem:s2], $0x80, s6, s14, $0xb8;
	[tilespmem:$0x17040] =	vst v63  }
0x8b: {  	s7 =	simm.s32 $0x500  }
0x8c: {  	[tilespmem:s19], [sflag:$0x5] =	stream.indirect.gather.add.f32 [spmem:s2], $0x80, s7, s14, $0xb8;
	[tilespmem:$0x17040] =	vst v63  }
0x8d: {  	s9 =	simm.s32 $0x700  }
0x8e: {  	[tilespmem:s19], [sflag:$0x5] =	stream.indirect.gather.add.f32 [spmem:s2], $0x80, s9, s14, $0xb8;
	[tilespmem:$0x17040] =	vst v63  }
0x8f: {  	s6 =	simm.s32 $0x900  }
0x90: {  	[tilespmem:s19], [sflag:$0x5] =	stream.indirect.gather.add.f32 [spmem:s2], $0x80, s6, s14, $0xb8;
	[tilespmem:$0x17040] =	vst v63  }
0x91: {  	s7 =	simm.s32 $0xB00  }
0x92: {  	[tilespmem:s19], [sflag:$0x5] =	stream.indirect.gather.add.f32 [spmem:s2], $0x80, s7, s14, $0xb8;
	[tilespmem:$0x17040] =	vst v63  }
0x93: {  	s9 =	simm.s32 $0xD00  }
0x94: {  	[tilespmem:s19], [sflag:$0x5] =	stream.indirect.gather.add.f32 [spmem:s2], $0x80, s9, s14, $0xb8;
	[tilespmem:$0x17040] =	vst v63  }
0x95: {  	s6 =	simm.s32 $0xF00  }
0x96: {  	[tilespmem:s19], [sflag:$0x5] =	stream.indirect.gather.add.f32 [spmem:s2], $0x80, s6, s14, $0xb8;
	[tilespmem:$0x17040] =	vst v63  }
.Ltmp5:
0x97: {  	_ = 	snop;
	(pc) =	sbr.rel .LBB2_8-.Ltmp5, $4  }
0x98: {  	s7 =	simm.s32 $0x1100  }
0x99: {  	[tilespmem:s19], [sflag:$0x5] =	stream.indirect.gather.add.f32 [spmem:s2], $0x80, s7, s14, $0xb8;
	[tilespmem:$0x17040] =	vst v63  }
0x9a: {  	s30 =	simm.s32 $0x0;
	s9 =	simm.s32 $0x1300  }
0x9b: {  	[tilespmem:s19], [sflag:$0x5] =	stream.indirect.gather.add.f32 [spmem:s2], $0x80, s9, s14, $0xb8;
	[tilespmem:$0x17040] =	vst v63  }
.LBB2_12:
0x9c: {  	s30 =	sadd.s32 $0x1, s30  }
0x9d: {  	p1 =	sne.s32 s30, $0x4  }
.Ltmp6:
0x9e: {  	_ = 	snop;
	(pc) =	sbr.rel @!p1 .LBB2_13-.Ltmp6, $1  }
0x9f: {  	_ =	sdelay $0x3  }
.LBB2_8:
0xa0: {  	p1 =	seq.s32 s30, $0x3;
	s5 =	smov.u32 s30  }
0xa1: {  	s5 =	simm.s32 @p1 $0x0  }
0xa2: {  	p1 =	seq.s32 s30, $0x0;
	s6 =	sadd.s32 $0x3, s5  }
0xa3: {  	s6 =	simm.s32 @p1 $0x2  }
0xa4: {  	_ =	swait.ge [sflag:s6], $0x4000  }
0xa5: {  	[sflag:s6] =	ssyncset.done $0x0  }
0xa6: {  	[sflag:s6] =	ssyncadd.s32 $0xFFFFC000  }
0xa7: {  	_ =	swait.ge [sflag:s6], $0x4000  }
0xa8: {  	[sflag:s6] =	ssyncset.done $0x0  }
0xa9: {  	[sflag:s6] =	ssyncadd.s32 $0xFFFFC000  }
0xaa: {  	_ =	swait.ge [sflag:s6], $0x4000  }
0xab: {  	[sflag:s6] =	ssyncset.done $0x0  }
0xac: {  	[sflag:s6] =	ssyncadd.s32 $0xFFFFC000  }
0xad: {  	_ =	swait.ge [sflag:s6], $0x4000  }
0xae: {  	[sflag:s6] =	ssyncset.done $0x0  }
0xaf: {  	[sflag:s6] =	ssyncadd.s32 $0xFFFFC000  }
0xb0: {  	_ =	swait.ge [sflag:s6], $0x4000  }
0xb1: {  	[sflag:s6] =	ssyncset.done $0x0  }
0xb2: {  	[sflag:s6] =	ssyncadd.s32 $0xFFFFC000  }
0xb3: {  	_ =	swait.ge [sflag:s6], $0x4000  }
0xb4: {  	[sflag:s6] =	ssyncset.done $0x0  }
0xb5: {  	[sflag:s6] =	ssyncadd.s32 $0xFFFFC000  }
0xb6: {  	_ =	swait.ge [sflag:s6], $0x4000  }
0xb7: {  	[sflag:s6] =	ssyncset.done $0x0  }
0xb8: {  	[sflag:s6] =	ssyncadd.s32 $0xFFFFC000  }
0xb9: {  	_ =	swait.ge [sflag:s6], $0x4000  }
0xba: {  	[sflag:s6] =	ssyncset.done $0x0  }
0xbb: {  	[sflag:s6] =	ssyncadd.s32 $0xFFFFC000  }
0xbc: {  	_ =	swait.ge [sflag:s6], $0x4000  }
0xbd: {  	[sflag:s6] =	ssyncset.done $0x0  }
0xbe: {  	p1 =	sne.s32 s30, $0x0;
	[sflag:s6] =	ssyncadd.s32 $0xFFFFC000  }
.Ltmp7:
0xbf: {  	_ =	swait.ge [sflag:s6], $0x4000;
	(pc) =	sbr.rel @p1 .LBB2_12-.Ltmp7, $4  }
0xc0: {  	s7 =	sshll.u32 s5, $0x10;
	[sflag:s6] =	ssyncset.done $0x0  }
0xc1: {  	s9 =	sshll.u32 s30, $0xB;
	[sflag:s6] =	ssyncadd.s32 $0xFFFFC000;
	s6 =	sshra.s32 s7, $0x2  }
0xc2: {  	s9 =	sadd.s32 s9, s8;
	s7 =	sadd.s32 $0x6, s5;
	s5 =	sor.u32 $0x1400, s6  }
0xc3: {  	[hbm4b:s9+s3] =	stream.linear.scatter [tilespmem:s5], [sflag:s7], $0x4000, $0x38;
	[tilespmem:$0x17040] =	vst v63  }
0xc4: {  	s6 =	sadd.s32 $0x1440, s6  }
0xc5: {  	v1 =	vmov s6;
	_ =	sdelay $0x1  }
0xc6: {  	_ =	swait.ge [sflag:s7], $0x4000  }
0xc7: {  	[sflag:s7] =	ssyncset.done $0x0  }
0xc8: {  	s6 =	simm.s32 $0x0;
	[sflag:s7] =	ssyncadd.s32 $0xFFFFC000  }
0xc9: {  	[tilespmem:v1+s6+$0xFFFFFFC0 ss:$0x1] =	vst.idx.msk $0xffff, v0  }
0xca: {  	[tilespmem:v1+s6+$0xFFFFFFD0 ss:$0x1] =	vst.idx.msk $0xffff, v0  }
0xcb: {  	[tilespmem:v1+s6+$0xFFFFFFE0 ss:$0x1] =	vst.idx.msk $0xffff, v0  }
0xcc: {  	[tilespmem:v1+s6+$0xFFFFFFF0 ss:$0x1] =	vst.idx.msk $0xffff, v0  }
0xcd: {  	[tilespmem:v1+s6+$0x0 ss:$0x1] =	vst.idx.msk $0xffff, v0  }
0xce: {  	[tilespmem:v1+s6+$0x10 ss:$0x1] =	vst.idx.msk $0xffff, v0  }
0xcf: {  	s7 =	simm.s32 $0x200;
	[tilespmem:v1+s6+$0x20 ss:$0x1] =	vst.idx.msk $0xffff, v0  }
.LBB2_10:
0xd0: {  	p1 =	seq.s32 s7, $0xFE00;
	[tilespmem:v1+s6+$0x30 ss:$0x1] =	vst.idx.msk $0xffff, v0;
	s6 =	sshra.s32 s7, $0x2;
	s7 =	sadd.s32 $0x200, s7  }
0xd1: {  	[tilespmem:v1+s6+$0xFFFFFFC0 ss:$0x1] =	vst.idx.msk $0xffff, v0  }
0xd2: {  	[tilespmem:v1+s6+$0xFFFFFFD0 ss:$0x1] =	vst.idx.msk $0xffff, v0  }
.Ltmp8:
0xd3: {  	[tilespmem:v1+s6+$0xFFFFFFE0 ss:$0x1] =	vst.idx.msk $0xffff, v0;
	(pc) =	sbr.rel @!p1 .LBB2_10-.Ltmp8, $4  }
0xd4: {  	[tilespmem:v1+s6+$0xFFFFFFF0 ss:$0x1] =	vst.idx.msk $0xffff, v0  }
0xd5: {  	[tilespmem:v1+s6+$0x0 ss:$0x1] =	vst.idx.msk $0xffff, v0  }
0xd6: {  	[tilespmem:v1+s6+$0x10 ss:$0x1] =	vst.idx.msk $0xffff, v0  }
0xd7: {  	[tilespmem:v1+s6+$0x20 ss:$0x1] =	vst.idx.msk $0xffff, v0  }
0xd8: {  	_ =	sdelay $0x3  }
0xd9: {  	[tilespmem:v1+s6+$0x30 ss:$0x1] =	vst.idx.msk $0xffff, v0;
	s9 =	sadd.s32 $0x3, s30  }
0xda: {  	[tilespmem:s5], [sflag:s9] =	stream.indirect.gather.add.f32 [spmem:s2], $0x80, s31, s14, $0xb8;
	[tilespmem:$0x17040] =	vst v63  }
0xdb: {  	_ = 	snop  }
0xdc: {  	[tilespmem:s5], [sflag:s9] =	stream.indirect.gather.add.f32 [spmem:s2], $0x80, s1, s14, $0xb8;
	[tilespmem:$0x17040] =	vst v63  }
0xdd: {  	_ = 	snop  }
0xde: {  	[tilespmem:s5], [sflag:s9] =	stream.indirect.gather.add.f32 [spmem:s2], $0x80, s0, s14, $0xb8;
	[tilespmem:$0x17040] =	vst v63  }
0xdf: {  	_ = 	snop  }
0xe0: {  	[tilespmem:s5], [sflag:s9] =	stream.indirect.gather.add.f32 [spmem:s2], $0x80, s16, s14, $0xb8;
	[tilespmem:$0x17040] =	vst v63  }
0xe1: {  	_ = 	snop  }
0xe2: {  	[tilespmem:s5], [sflag:s9] =	stream.indirect.gather.add.f32 [spmem:s2], $0x80, s17, s14, $0xb8;
	[tilespmem:$0x17040] =	vst v63  }
0xe3: {  	_ = 	snop  }
0xe4: {  	[tilespmem:s5], [sflag:s9] =	stream.indirect.gather.add.f32 [spmem:s2], $0x80, s18, s14, $0xb8;
	[tilespmem:$0x17040] =	vst v63  }
0xe5: {  	_ = 	snop  }
0xe6: {  	[tilespmem:s5], [sflag:s9] =	stream.indirect.gather.add.f32 [spmem:s2], $0x80, s20, s14, $0xb8;
	[tilespmem:$0x17040] =	vst v63  }
0xe7: {  	_ = 	snop  }
0xe8: {  	[tilespmem:s5], [sflag:s9] =	stream.indirect.gather.add.f32 [spmem:s2], $0x80, s21, s14, $0xb8;
	[tilespmem:$0x17040] =	vst v63  }
.Ltmp9:
0xe9: {  	_ = 	snop;
	(pc) =	sbr.rel .LBB2_12-.Ltmp9, $4  }
0xea: {  	_ = 	snop  }
0xeb: {  	[tilespmem:s5], [sflag:s9] =	stream.indirect.gather.add.f32 [spmem:s2], $0x80, s22, s14, $0xb8;
	[tilespmem:$0x17040] =	vst v63  }
0xec: {  	_ = 	snop  }
0xed: {  	[tilespmem:s5], [sflag:s9] =	stream.indirect.gather.add.f32 [spmem:s2], $0x80, s23, s14, $0xb8;
	[tilespmem:$0x17040] =	vst v63  }
.LBB2_14:
0xee: {  	_ =	sfence.sel $0x180000  }
0xef: {  	[bflag:$0x0] =	sbarrier.arrive $0xFFFF  }
0xf0: {  	_ =	strace $0x90000047  }
0xf1: {  	s0 =	stileid.u32;
	[bflag:$0x2] =	sbarrier.arrive $0xFFFF  }
0xf2: {  	p0 =	sne.s32 s0, $0x0;
	s0 =	rddreg [dreg:$0x3]  }
0xf3: {  	s0 =	sadd.s32 @!p0 $0x100000, s0  }
0xf4: {  	[sflag:s0] =	ssyncadd.tile.s32 @!p0 $0x1;
	_ =	shalt  }
.Lfunc_end2:
_tile_overlayer_lowered:
.L_overlay_start_2:
0xf5: {  	(tag) =	ssettag $0x2  }
0xf6: {  	s0 =	rddreg [dreg:$0x0];
	s2 =	stileid.u32  }
0xf7: {  	s1 =	rddreg [dreg:$0x1];
	p0 =	sne.s32 s2, $0x0  }
0xf8: {  	s3 =	rddreg [dreg:$0x2];
	[bflag:$0x3] =	sbarrier.arrive $0xFFFF;
	s2 =	simm.s32 @!p0 $0x1C09  }
0xf9: {  	[timem:s3], [sflag:s2] =	dma.local @!p0 [hbm:s0], s1  }
0xfa: {  	s0 =	simm.s32 @!p0 $0x9  }
0xfb: {  	_ =	swait.ge @!p0 [sflag:s0], s1  }
0xfc: {  	s1 =	ssub.s32 @!p0 $0x0, s1;
	[sflag:s0] =	ssyncset.done @!p0 $0x0  }
0xfd: {  	[sflag:s0] =	ssyncadd.s32 @!p0 s1  }
0xfe: {  	[bflag:$0x3] =	sbarrier.arrive $0xFFFF  }
0xff: {  	_ =	shalt  }

</sc_bundles>
